<compile_context>
chip_gen: v7x
topology: tpu7x:2x2x1
jax: 0.10.2.dev20260603
libtpu: 0.0.44.dev20260713+nightly
codegen_flags: <defaults>
</compile_context>

<pallas_src>
import functools

import jax
import jax.numpy as jnp
from jax import lax
from jax.experimental import pallas as pl
from jax.experimental.pallas import tpu as pltpu
from jax.experimental.pallas import tpu_sc as plsc

NC = 2
NS = 16
NW = NC * NS
C = 128

_mesh = lambda: plsc.VectorSubcoreMesh(core_axis_name="c", subcore_axis_name="s")


def _make_agg(n_nodes, h_dim, nchunk):
    zrows = -(-(n_nodes + 1) // (NS * 8)) * 8
    acc_rows = zrows * NS

    @functools.partial(
        pl.kernel,
        mesh=_mesh(),
        out_type=jax.ShapeDtypeStruct((NC * acc_rows, h_dim), jnp.float32),
        scratch_types=[
            pltpu.VMEM((C,), jnp.int32),
            pltpu.VMEM((C,), jnp.int32),
            pltpu.VMEM((C, h_dim), jnp.float32),
            pltpu.VMEM_SHARED((acc_rows, h_dim), jnp.float32),
            pltpu.SemaphoreType.DMA,
        ],
    )
    def agg(table_hbm, src_hbm, dst_hbm, zeros_hbm, out_hbm,
            src_v, dst_v, rows_v, acc_sh, sem):
        c = lax.axis_index("c")
        s = lax.axis_index("s")
        wid = s * NC + c
        pltpu.sync_copy(zeros_hbm, acc_sh.at[pl.ds(s * zrows, zrows)])
        plsc.subcore_barrier()

        def chunk(i, carry):
            base = (wid * nchunk + i) * C
            pltpu.sync_copy(src_hbm.at[pl.ds(base, C)], src_v)
            pltpu.sync_copy(dst_hbm.at[pl.ds(base, C)], dst_v)
            pltpu.async_copy(table_hbm.at[src_v], rows_v, sem).wait()
            pltpu.sync_copy(rows_v, acc_sh.at[dst_v], add=True)
            return carry

        lax.fori_loop(0, nchunk, chunk, 0)
        plsc.subcore_barrier()
        pltpu.sync_copy(acc_sh.at[pl.ds(s * zrows, zrows)],
                        out_hbm.at[pl.ds(c * acc_rows + s * zrows, zrows)])

    return agg, zrows, acc_rows


def _make_deg(n_nodes, nchunk):
    zrows = -(-(n_nodes + 1) // (NS * 8)) * 8
    acc_rows = zrows * NS

    @functools.partial(
        pl.kernel,
        mesh=_mesh(),
        out_type=jax.ShapeDtypeStruct((NC * acc_rows, 16), jnp.float32),
        scratch_types=[
            pltpu.VMEM((C,), jnp.int32),
            pltpu.VMEM((C, 16), jnp.float32),
            pltpu.VMEM_SHARED((acc_rows, 16), jnp.float32),
        ],
    )
    def deg(dst_hbm, ones_hbm, zeros_hbm, out_hbm, dst_v, ones_v, acc_sh):
        c = lax.axis_index("c")
        s = lax.axis_index("s")
        wid = s * NC + c
        pltpu.sync_copy(zeros_hbm, acc_sh.at[pl.ds(s * zrows, zrows)])
        pltpu.sync_copy(ones_hbm, ones_v)
        plsc.subcore_barrier()

        def chunk(i, carry):
            base = (wid * nchunk + i) * C
            pltpu.sync_copy(dst_hbm.at[pl.ds(base, C)], dst_v)
            pltpu.sync_copy(ones_v, acc_sh.at[dst_v], add=True)
            return carry

        lax.fori_loop(0, nchunk, chunk, 0)
        plsc.subcore_barrier()
        pltpu.sync_copy(acc_sh.at[pl.ds(s * zrows, zrows)],
                        out_hbm.at[pl.ds(c * acc_rows + s * zrows, zrows)])

    return deg, zrows, acc_rows


def _tc_first(x_ref, w_ref, dega_ref, degb_ref, out_ref):
    deg = dega_ref[:, :1] + degb_ref[:, :1]
    dis = lax.rsqrt(deg)
    out_ref[:] = jnp.dot(x_ref[:], w_ref[:],
                         preferred_element_type=jnp.float32) * dis


def _tc_mid(agga_ref, aggb_ref, dega_ref, degb_ref, b_ref, w_ref, out_ref):
    deg = dega_ref[:, :1] + degb_ref[:, :1]
    dis = lax.rsqrt(deg)
    h = jnp.maximum((agga_ref[:] + aggb_ref[:]) * dis + b_ref[:], 0.0)
    out_ref[:] = jnp.dot(h, w_ref[:], preferred_element_type=jnp.float32) * dis


def _tc_head(agga_ref, aggb_ref, dega_ref, degb_ref, b_ref, batch_ref,
             wl1_ref, bl1_ref, wl2_ref, bl2_ref, out_ref):
    n = agga_ref.shape[0]
    g = out_ref.shape[0]
    deg = dega_ref[:, :1] + degb_ref[:, :1]
    dis = lax.rsqrt(deg)
    h = jnp.maximum((agga_ref[:] + aggb_ref[:]) * dis + b_ref[:], 0.0)
    gids = lax.broadcasted_iota(jnp.int32, (g, n), 0)
    onehot = (batch_ref[:] == gids).astype(jnp.float32)
    sums = jnp.dot(onehot, h, preferred_element_type=jnp.float32)
    counts = jnp.sum(onehot, axis=1, keepdims=True)
    pooled = sums / jnp.maximum(counts, 1.0)
    hh = jnp.maximum(
        jnp.dot(pooled, wl1_ref[:], preferred_element_type=jnp.float32)
        + bl1_ref[:], 0.0)
    out_ref[:] = (jnp.dot(hh, wl2_ref[:], preferred_element_type=jnp.float32)
                  + bl2_ref[:])


def kernel(x, edge_index, batch, W1, b1, W2, b2, W3, b3, Wl1, bl1, Wl2, bl2):
    n, d = x.shape
    h_dim = W1.shape[1]
    g = 64
    e = edge_index.shape[1]
    e_tot = e + n
    nchunk = -(-e_tot // (NW * C))
    e_pad = NW * nchunk * C

    loop = jnp.arange(n, dtype=jnp.int32)
    src = jnp.concatenate([
        edge_index[0].astype(jnp.int32), loop,
        jnp.zeros((e_pad - e_tot,), jnp.int32)])
    dst = jnp.concatenate([
        edge_index[1].astype(jnp.int32), loop,
        jnp.full((e_pad - e_tot,), n, jnp.int32)])

    agg, azr, arows = _make_agg(n, h_dim, nchunk)
    deg, dzr, drows = _make_deg(n, nchunk)

    zeros_h = jnp.zeros((azr, h_dim), jnp.float32)
    zeros_d = jnp.zeros((dzr, 16), jnp.float32)
    ones_d = jnp.ones((C, 16), jnp.float32)

    deg2 = deg(dst, ones_d, zeros_d)
    dega, degb = deg2[:n], deg2[drows:drows + n]

    tc_io = functools.partial(pl.pallas_call,
                              out_shape=jax.ShapeDtypeStruct((n, h_dim),
                                                             jnp.float32))

    hw = tc_io(_tc_first)(x, W1, dega, degb)
    for b, w in ((b1, W2), (b2, W3)):
        a2 = agg(hw, src, dst, zeros_h)
        hw = tc_io(_tc_mid)(a2[:n], a2[arows:arows + n], dega, degb,
                            b.reshape(1, h_dim), w)
    a2 = agg(hw, src, dst, zeros_h)
    out = pl.pallas_call(
        _tc_head,
        out_shape=jax.ShapeDtypeStruct((g, 1), jnp.float32),
    )(a2[:n], a2[arows:arows + n], dega, degb, b3.reshape(1, h_dim),
      batch.reshape(1, n).astype(jnp.int32), Wl1, bl1.reshape(1, -1),
      Wl2, bl2.reshape(1, 1))
    return out.reshape(g)

# --- scband reference (transcript-rebuilt; emitter-appended) ---
"""Pipeline reference for scband-gcnregressor-15762529976888 (READ-ONLY COPY).

The authoritative reference and input builder live on the scoring server;
editing this copy changes nothing except your own understanding.
"""

import jax, jax.numpy as jnp
import numpy as np

N = 10000
E = 320000
D = 128
H = 128
G = 64


def setup_inputs(seed: int = 0) -> dict:
    key = jax.random.key(seed)
    ks = jax.random.split(key, 14)
    x = jax.random.normal(ks[0], (N, D), dtype=jnp.float32)
    edge_index = jax.random.randint(ks[1], (2, E), 0, N, dtype=jnp.int32)
    batch = jnp.sort(jax.random.randint(ks[2], (N,), 0, G, dtype=jnp.int32))
    def lin_init(k, fan_in, fan_out):
        kw, kb = jax.random.split(k)
        bound = 1.0 / np.sqrt(fan_in)
        W = jax.random.uniform(kw, (fan_in, fan_out), minval=-bound, maxval=bound, dtype=jnp.float32)
        b = jax.random.uniform(kb, (fan_out,), minval=-bound, maxval=bound, dtype=jnp.float32)
        return W, b
    W1, b1 = lin_init(ks[3], D, H)
    W2, b2 = lin_init(ks[4], H, H)
    W3, b3 = lin_init(ks[5], H, H)
    Wl1, bl1 = lin_init(ks[6], H, H // 2)
    Wl2, bl2 = lin_init(ks[7], H // 2, 1)
    return {"x": x, "edge_index": edge_index, "batch": batch,
            "W1": W1, "b1": b1, "W2": W2, "b2": b2, "W3": W3, "b3": b3,
            "Wl1": Wl1, "bl1": bl1, "Wl2": Wl2, "bl2": bl2}


def reference(x, edge_index, batch, W1, b1, W2, b2, W3, b3, Wl1, bl1, Wl2, bl2):
    # GCNConv (PyG semantics): add self-loops, symmetric normalization, scatter-add aggregation
    loop = jnp.arange(N, dtype=edge_index.dtype)
    src = jnp.concatenate([edge_index[0], loop])
    dst = jnp.concatenate([edge_index[1], loop])
    deg = jnp.zeros((N,), dtype=jnp.float32).at[dst].add(1.0)
    deg_inv_sqrt = jnp.where(deg > 0, 1.0 / jnp.sqrt(deg), 0.0)
    norm = deg_inv_sqrt[src] * deg_inv_sqrt[dst]

    def gcn_conv(h, W, b):
        hw = h @ W
        msg = hw[src] * norm[:, None]
        out = jnp.zeros((N, W.shape[1]), dtype=jnp.float32).at[dst].add(msg)
        return out + b

    h = x
    for W, b in ((W1, b1), (W2, b2), (W3, b3)):
        h = jax.nn.relu(gcn_conv(h, W, b))  # dropout is identity in eval mode

    # global mean pool over graph assignment `batch`
    sums = jax.ops.segment_sum(h, batch, num_segments=G)
    counts = jax.ops.segment_sum(jnp.ones((N,), dtype=jnp.float32), batch, num_segments=G)
    pooled = sums / jnp.maximum(counts, 1.0)[:, None]

    h = jax.nn.relu(pooled @ Wl1 + bl1)
    out = h @ Wl2 + bl2
    return out.squeeze(-1)

if __name__ == "__main__":
    import jax
    _d = setup_inputs()
    print(jax.jit(kernel)(*tuple(_d.values())))

</pallas_src>

<mosaic_0001>
#map = affine_map<(d0, d1) -> (0, 0)>
#map1 = affine_map<(d0, d1) -> (0)>
module attributes {stable_mosaic.version = 14 : i64} {
  func.func @agg(%arg0: i32, %arg1: i32, %arg2: memref<10000x128xf32, #tpu.memory_space<hbm>>, %arg3: memref<331776xi32, #tpu.memory_space<hbm>>, %arg4: memref<331776xi32, #tpu.memory_space<hbm>>, %arg5: memref<632x128xf32, #tpu.memory_space<hbm>>, %arg6: memref<20224x128xf32, #tpu.memory_space<hbm>>, %arg7: memref<128xi32, #tpu.memory_space<vmem>>, %arg8: memref<128xi32, #tpu.memory_space<vmem>>, %arg9: memref<128x128xf32, #tpu.memory_space<vmem>>, %arg10: memref<10112x128xf32, #tpu.memory_space<vmem_shared>>, %arg11: memref<!tpu.dma_semaphore, #tpu.memory_space<semaphore_mem>>) attributes {dimension_semantics = [#tpu.dimension_semantics<core_parallel>, #tpu.dimension_semantics<subcore_parallel>], iteration_bounds = array<i64: 2, 16>, scalar_prefetch = 0 : i64, scratch_operands = 5 : i64, tpu.core_type = #tpu.core_type<sc_vector_subcore>, window_params = [{transform_indices = #map}, {transform_indices = #map1}, {transform_indices = #map1}, {transform_indices = #map}, {transform_indices = #map}]} {
    %mul3A = arith.constant 2 : i32
    %mul3A_0 = arith.muli %arg1, %mul3A : i32
    %add3A = arith.addi %mul3A_0, %arg0 : i32
    %mul3A_1 = arith.constant 632 : i32
    %mul3A_2 = arith.muli %arg1, %mul3A_1 : i32
    "tpu.region"() ({
      %run_scoped3A = tpu.sem_alloc : memref<!tpu.dma_semaphore, #tpu.memory_space<semaphore_mem>>
      %dma_start3A = arith.constant 0 : i32
      %dma_start3A_16 = tpu.memref_slice %arg10[%mul3A_2, %dma_start3A] : memref<10112x128xf32, #tpu.memory_space<vmem_shared>> -> memref<632x128xf32, #tpu.memory_space<vmem_shared>>
      tpu.enqueue_dma source(%arg5 : memref<632x128xf32, #tpu.memory_space<hbm>>) target(%dma_start3A_16 : memref<632x128xf32, #tpu.memory_space<vmem_shared>>) target_semaphore(%run_scoped3A : memref<!tpu.dma_semaphore, #tpu.memory_space<semaphore_mem>>)
      %dma_wait3A = arith.constant 0 : i32
      %dma_wait3A_17 = tpu.memref_slice %arg10[%mul3A_2, %dma_wait3A] : memref<10112x128xf32, #tpu.memory_space<vmem_shared>> -> memref<632x128xf32, #tpu.memory_space<vmem_shared>>
      tpu.wait_dma2 semaphore(%run_scoped3A : memref<!tpu.dma_semaphore, #tpu.memory_space<semaphore_mem>>) src(%arg5 : memref<632x128xf32, #tpu.memory_space<hbm>>) dst(%dma_wait3A_17 : memref<632x128xf32, #tpu.memory_space<vmem_shared>>)
      tpu.yield
    }) : () -> ()
    %barrier3A = arith.constant 0 : index
    tpu.barrier barrier_id(%barrier3A)
    %scan3A = arith.constant 0 : i32
    %scan3A_3 = arith.constant 0 : i32
    %scan3A_4 = arith.constant 81 : i32
    %scan3A_5 = arith.addi %scan3A_3, %scan3A_4 : i32
    %scan3A_6 = arith.constant 1 : i32
    scf.for %scan3A_16 = %scan3A_3 to %scan3A_5 step %scan3A_6  : i32 {
      %mul3A_17 = arith.constant 81 : i32
      %mul3A_18 = arith.muli %add3A, %mul3A_17 : i32
      %add3A_19 = arith.addi %mul3A_18, %scan3A_16 : i32
      %mul3A_20 = arith.constant 128 : i32
      %mul3A_21 = arith.muli %add3A_19, %mul3A_20 : i32
      "tpu.region"() ({
        %run_scoped3A = tpu.sem_alloc : memref<!tpu.dma_semaphore, #tpu.memory_space<semaphore_mem>>
        %dma_start3A_26 = tpu.memref_slice %arg3[%mul3A_21] : memref<331776xi32, #tpu.memory_space<hbm>> -> memref<128xi32, #tpu.memory_space<hbm>>
        %dma_start3A_27 = tpu.memref_slice %arg3[%mul3A_21] : memref<331776xi32, #tpu.memory_space<hbm>> -> memref<128xi32, #tpu.memory_space<hbm>>
        tpu.enqueue_dma source(%dma_start3A_27 : memref<128xi32, #tpu.memory_space<hbm>>) target(%arg7 : memref<128xi32, #tpu.memory_space<vmem>>) target_semaphore(%run_scoped3A : memref<!tpu.dma_semaphore, #tpu.memory_space<semaphore_mem>>)
        %dma_wait3A_28 = tpu.memref_slice %arg3[%mul3A_21] : memref<331776xi32, #tpu.memory_space<hbm>> -> memref<128xi32, #tpu.memory_space<hbm>>
        %dma_wait3A_29 = tpu.memref_slice %arg3[%mul3A_21] : memref<331776xi32, #tpu.memory_space<hbm>> -> memref<128xi32, #tpu.memory_space<hbm>>
        tpu.wait_dma2 semaphore(%run_scoped3A : memref<!tpu.dma_semaphore, #tpu.memory_space<semaphore_mem>>) src(%dma_wait3A_29 : memref<128xi32, #tpu.memory_space<hbm>>) dst(%arg7 : memref<128xi32, #tpu.memory_space<vmem>>)
        tpu.yield
      }) : () -> ()
      "tpu.region"() ({
        %run_scoped3A = tpu.sem_alloc : memref<!tpu.dma_semaphore, #tpu.memory_space<semaphore_mem>>
        %dma_start3A_26 = tpu.memref_slice %arg4[%mul3A_21] : memref<331776xi32, #tpu.memory_space<hbm>> -> memref<128xi32, #tpu.memory_space<hbm>>
        %dma_start3A_27 = tpu.memref_slice %arg4[%mul3A_21] : memref<331776xi32, #tpu.memory_space<hbm>> -> memref<128xi32, #tpu.memory_space<hbm>>
        tpu.enqueue_dma source(%dma_start3A_27 : memref<128xi32, #tpu.memory_space<hbm>>) target(%arg8 : memref<128xi32, #tpu.memory_space<vmem>>) target_semaphore(%run_scoped3A : memref<!tpu.dma_semaphore, #tpu.memory_space<semaphore_mem>>)
        %dma_wait3A_28 = tpu.memref_slice %arg4[%mul3A_21] : memref<331776xi32, #tpu.memory_space<hbm>> -> memref<128xi32, #tpu.memory_space<hbm>>
        %dma_wait3A_29 = tpu.memref_slice %arg4[%mul3A_21] : memref<331776xi32, #tpu.memory_space<hbm>> -> memref<128xi32, #tpu.memory_space<hbm>>
        tpu.wait_dma2 semaphore(%run_scoped3A : memref<!tpu.dma_semaphore, #tpu.memory_space<semaphore_mem>>) src(%dma_wait3A_29 : memref<128xi32, #tpu.memory_space<hbm>>) dst(%arg8 : memref<128xi32, #tpu.memory_space<vmem>>)
        tpu.yield
      }) : () -> ()
      %dma_start3A = arith.constant 0 : i32
      %dma_start3A_22 = arith.constant 0 : i32
      %dma_start3A_23 = tpu.memref_slice %arg2[%dma_start3A, %dma_start3A_22] : memref<10000x128xf32, #tpu.memory_space<hbm>> -> memref<10000x128xf32, #tpu.memory_space<hbm>>
      tpu.enqueue_indirect_dma source(%dma_start3A_23 : memref<10000x128xf32, #tpu.memory_space<hbm>>) target(%arg9 : memref<128x128xf32, #tpu.memory_space<vmem>>) offsets(%arg7 : memref<128xi32, #tpu.memory_space<vmem>>) semaphore(%arg11 : memref<!tpu.dma_semaphore, #tpu.memory_space<semaphore_mem>>)
      %dma_wait3A = arith.constant 0 : i32
      %dma_wait3A_24 = arith.constant 0 : i32
      %dma_wait3A_25 = tpu.memref_slice %arg2[%dma_wait3A, %dma_wait3A_24] : memref<10000x128xf32, #tpu.memory_space<hbm>> -> memref<10000x128xf32, #tpu.memory_space<hbm>>
      tpu.wait_indirect_dma semaphore(%arg11 : memref<!tpu.dma_semaphore, #tpu.memory_space<semaphore_mem>>) src(%dma_wait3A_25 : memref<10000x128xf32, #tpu.memory_space<hbm>>) dst(%arg9 : memref<128x128xf32, #tpu.memory_space<vmem>>)
      "tpu.region"() ({
        %run_scoped3A = tpu.sem_alloc : memref<!tpu.dma_semaphore, #tpu.memory_space<semaphore_mem>>
        %dma_start3A_26 = arith.constant 0 : i32
        %dma_start3A_27 = arith.constant 0 : i32
        %dma_start3A_28 = tpu.memref_slice %arg10[%dma_start3A_26, %dma_start3A_27] : memref<10112x128xf32, #tpu.memory_space<vmem_shared>> -> memref<10112x128xf32, #tpu.memory_space<vmem_shared>>
        tpu.enqueue_indirect_dma source(%arg9 : memref<128x128xf32, #tpu.memory_space<vmem>>) target(%dma_start3A_28 : memref<10112x128xf32, #tpu.memory_space<vmem_shared>>) offsets(%arg8 : memref<128xi32, #tpu.memory_space<vmem>>) semaphore(%run_scoped3A : memref<!tpu.dma_semaphore, #tpu.memory_space<semaphore_mem>>) {add = true}
        %dma_wait3A_29 = arith.constant 0 : i32
        %dma_wait3A_30 = arith.constant 0 : i32
        %dma_wait3A_31 = tpu.memref_slice %arg10[%dma_wait3A_29, %dma_wait3A_30] : memref<10112x128xf32, #tpu.memory_space<vmem_shared>> -> memref<10112x128xf32, #tpu.memory_space<vmem_shared>>
        tpu.wait_indirect_dma semaphore(%run_scoped3A : memref<!tpu.dma_semaphore, #tpu.memory_space<semaphore_mem>>) src(%arg9 : memref<128x128xf32, #tpu.memory_space<vmem>>) dst(%dma_wait3A_31 : memref<10112x128xf32, #tpu.memory_space<vmem_shared>>)
        tpu.yield
      }) : () -> ()
    }
    %scan3A_7 = arith.constant 81 : i32
    %barrier3A_8 = arith.constant 0 : index
    tpu.barrier barrier_id(%barrier3A_8)
    %mul3A_9 = arith.constant 632 : i32
    %mul3A_10 = arith.muli %arg1, %mul3A_9 : i32
    %mul3A_11 = arith.constant 10112 : i32
    %mul3A_12 = arith.muli %arg0, %mul3A_11 : i32
    %mul3A_13 = arith.constant 632 : i32
    %mul3A_14 = arith.muli %arg1, %mul3A_13 : i32
    %add3A_15 = arith.addi %mul3A_12, %mul3A_14 : i32
    "tpu.region"() ({
      %run_scoped3A = tpu.sem_alloc : memref<!tpu.dma_semaphore, #tpu.memory_space<semaphore_mem>>
      %dma_start3A = arith.constant 0 : i32
      %dma_start3A_16 = tpu.memref_slice %arg6[%add3A_15, %dma_start3A] : memref<20224x128xf32, #tpu.memory_space<hbm>> -> memref<632x128xf32, #tpu.memory_space<hbm>>
      %dma_start3A_17 = arith.constant 0 : i32
      %dma_start3A_18 = tpu.memref_slice %arg10[%mul3A_10, %dma_start3A_17] : memref<10112x128xf32, #tpu.memory_space<vmem_shared>> -> memref<632x128xf32, #tpu.memory_space<vmem_shared>>
      tpu.enqueue_dma source(%dma_start3A_18 : memref<632x128xf32, #tpu.memory_space<vmem_shared>>) target(%dma_start3A_16 : memref<632x128xf32, #tpu.memory_space<hbm>>) target_semaphore(%run_scoped3A : memref<!tpu.dma_semaphore, #tpu.memory_space<semaphore_mem>>)
      %dma_wait3A = arith.constant 0 : i32
      %dma_wait3A_19 = tpu.memref_slice %arg6[%add3A_15, %dma_wait3A] : memref<20224x128xf32, #tpu.memory_space<hbm>> -> memref<632x128xf32, #tpu.memory_space<hbm>>
      %dma_wait3A_20 = arith.constant 0 : i32
      %dma_wait3A_21 = tpu.memref_slice %arg10[%mul3A_10, %dma_wait3A_20] : memref<10112x128xf32, #tpu.memory_space<vmem_shared>> -> memref<632x128xf32, #tpu.memory_space<vmem_shared>>
      tpu.wait_dma2 semaphore(%run_scoped3A : memref<!tpu.dma_semaphore, #tpu.memory_space<semaphore_mem>>) src(%dma_wait3A_21 : memref<632x128xf32, #tpu.memory_space<vmem_shared>>) dst(%dma_wait3A_19 : memref<632x128xf32, #tpu.memory_space<hbm>>)
      tpu.yield
    }) : () -> ()
    return
  }
}

#map = affine_map<(d0, d1) -> (0)>
#map1 = affine_map<(d0, d1) -> (0, 0)>
module attributes {stable_mosaic.version = 14 : i64} {
  func.func @deg(%arg0: i32, %arg1: i32, %arg2: memref<331776xi32, #tpu.memory_space<hbm>>, %arg3: memref<128x16xf32, #tpu.memory_space<hbm>>, %arg4: memref<632x16xf32, #tpu.memory_space<hbm>>, %arg5: memref<20224x16xf32, #tpu.memory_space<hbm>>, %arg6: memref<128xi32, #tpu.memory_space<vmem>>, %arg7: memref<128x16xf32, #tpu.memory_space<vmem>>, %arg8: memref<10112x16xf32, #tpu.memory_space<vmem_shared>>) attributes {dimension_semantics = [#tpu.dimension_semantics<core_parallel>, #tpu.dimension_semantics<subcore_parallel>], iteration_bounds = array<i64: 2, 16>, scalar_prefetch = 0 : i64, scratch_operands = 3 : i64, tpu.core_type = #tpu.core_type<sc_vector_subcore>, window_params = [{transform_indices = #map}, {transform_indices = #map1}, {transform_indices = #map1}, {transform_indices = #map1}]} {
    %mul3A = arith.constant 2 : i32
    %mul3A_0 = arith.muli %arg1, %mul3A : i32
    %add3A = arith.addi %mul3A_0, %arg0 : i32
    %mul3A_1 = arith.constant 632 : i32
    %mul3A_2 = arith.muli %arg1, %mul3A_1 : i32
    "tpu.region"() ({
      %run_scoped3A = tpu.sem_alloc : memref<!tpu.dma_semaphore, #tpu.memory_space<semaphore_mem>>
      %dma_start3A = arith.constant 0 : i32
      %dma_start3A_16 = tpu.memref_slice %arg8[%mul3A_2, %dma_start3A] : memref<10112x16xf32, #tpu.memory_space<vmem_shared>> -> memref<632x16xf32, #tpu.memory_space<vmem_shared>>
      tpu.enqueue_dma source(%arg4 : memref<632x16xf32, #tpu.memory_space<hbm>>) target(%dma_start3A_16 : memref<632x16xf32, #tpu.memory_space<vmem_shared>>) target_semaphore(%run_scoped3A : memref<!tpu.dma_semaphore, #tpu.memory_space<semaphore_mem>>)
      %dma_wait3A = arith.constant 0 : i32
      %dma_wait3A_17 = tpu.memref_slice %arg8[%mul3A_2, %dma_wait3A] : memref<10112x16xf32, #tpu.memory_space<vmem_shared>> -> memref<632x16xf32, #tpu.memory_space<vmem_shared>>
      tpu.wait_dma2 semaphore(%run_scoped3A : memref<!tpu.dma_semaphore, #tpu.memory_space<semaphore_mem>>) src(%arg4 : memref<632x16xf32, #tpu.memory_space<hbm>>) dst(%dma_wait3A_17 : memref<632x16xf32, #tpu.memory_space<vmem_shared>>)
      tpu.yield
    }) : () -> ()
    "tpu.region"() ({
      %run_scoped3A = tpu.sem_alloc : memref<!tpu.dma_semaphore, #tpu.memory_space<semaphore_mem>>
      tpu.enqueue_dma source(%arg3 : memref<128x16xf32, #tpu.memory_space<hbm>>) target(%arg7 : memref<128x16xf32, #tpu.memory_space<vmem>>) target_semaphore(%run_scoped3A : memref<!tpu.dma_semaphore, #tpu.memory_space<semaphore_mem>>)
      tpu.wait_dma2 semaphore(%run_scoped3A : memref<!tpu.dma_semaphore, #tpu.memory_space<semaphore_mem>>) src(%arg3 : memref<128x16xf32, #tpu.memory_space<hbm>>) dst(%arg7 : memref<128x16xf32, #tpu.memory_space<vmem>>)
      tpu.yield
    }) : () -> ()
    %barrier3A = arith.constant 0 : index
    tpu.barrier barrier_id(%barrier3A)
    %scan3A = arith.constant 0 : i32
    %scan3A_3 = arith.constant 0 : i32
    %scan3A_4 = arith.constant 81 : i32
    %scan3A_5 = arith.addi %scan3A_3, %scan3A_4 : i32
    %scan3A_6 = arith.constant 1 : i32
    scf.for %scan3A_16 = %scan3A_3 to %scan3A_5 step %scan3A_6  : i32 {
      %mul3A_17 = arith.constant 81 : i32
      %mul3A_18 = arith.muli %add3A, %mul3A_17 : i32
      %add3A_19 = arith.addi %mul3A_18, %scan3A_16 : i32
      %mul3A_20 = arith.constant 128 : i32
      %mul3A_21 = arith.muli %add3A_19, %mul3A_20 : i32
      "tpu.region"() ({
        %run_scoped3A = tpu.sem_alloc : memref<!tpu.dma_semaphore, #tpu.memory_space<semaphore_mem>>
        %dma_start3A = tpu.memref_slice %arg2[%mul3A_21] : memref<331776xi32, #tpu.memory_space<hbm>> -> memref<128xi32, #tpu.memory_space<hbm>>
        %dma_start3A_22 = tpu.memref_slice %arg2[%mul3A_21] : memref<331776xi32, #tpu.memory_space<hbm>> -> memref<128xi32, #tpu.memory_space<hbm>>
        tpu.enqueue_dma source(%dma_start3A_22 : memref<128xi32, #tpu.memory_space<hbm>>) target(%arg6 : memref<128xi32, #tpu.memory_space<vmem>>) target_semaphore(%run_scoped3A : memref<!tpu.dma_semaphore, #tpu.memory_space<semaphore_mem>>)
        %dma_wait3A = tpu.memref_slice %arg2[%mul3A_21] : memref<331776xi32, #tpu.memory_space<hbm>> -> memref<128xi32, #tpu.memory_space<hbm>>
        %dma_wait3A_23 = tpu.memref_slice %arg2[%mul3A_21] : memref<331776xi32, #tpu.memory_space<hbm>> -> memref<128xi32, #tpu.memory_space<hbm>>
        tpu.wait_dma2 semaphore(%run_scoped3A : memref<!tpu.dma_semaphore, #tpu.memory_space<semaphore_mem>>) src(%dma_wait3A_23 : memref<128xi32, #tpu.memory_space<hbm>>) dst(%arg6 : memref<128xi32, #tpu.memory_space<vmem>>)
        tpu.yield
      }) : () -> ()
      "tpu.region"() ({
        %run_scoped3A = tpu.sem_alloc : memref<!tpu.dma_semaphore, #tpu.memory_space<semaphore_mem>>
        %dma_start3A = arith.constant 0 : i32
        %dma_start3A_22 = arith.constant 0 : i32
        %dma_start3A_23 = tpu.memref_slice %arg8[%dma_start3A, %dma_start3A_22] : memref<10112x16xf32, #tpu.memory_space<vmem_shared>> -> memref<10112x16xf32, #tpu.memory_space<vmem_shared>>
        tpu.enqueue_indirect_dma source(%arg7 : memref<128x16xf32, #tpu.memory_space<vmem>>) target(%dma_start3A_23 : memref<10112x16xf32, #tpu.memory_space<vmem_shared>>) offsets(%arg6 : memref<128xi32, #tpu.memory_space<vmem>>) semaphore(%run_scoped3A : memref<!tpu.dma_semaphore, #tpu.memory_space<semaphore_mem>>) {add = true}
        %dma_wait3A = arith.constant 0 : i32
        %dma_wait3A_24 = arith.constant 0 : i32
        %dma_wait3A_25 = tpu.memref_slice %arg8[%dma_wait3A, %dma_wait3A_24] : memref<10112x16xf32, #tpu.memory_space<vmem_shared>> -> memref<10112x16xf32, #tpu.memory_space<vmem_shared>>
        tpu.wait_indirect_dma semaphore(%run_scoped3A : memref<!tpu.dma_semaphore, #tpu.memory_space<semaphore_mem>>) src(%arg7 : memref<128x16xf32, #tpu.memory_space<vmem>>) dst(%dma_wait3A_25 : memref<10112x16xf32, #tpu.memory_space<vmem_shared>>)
        tpu.yield
      }) : () -> ()
    }
    %scan3A_7 = arith.constant 81 : i32
    %barrier3A_8 = arith.constant 0 : index
    tpu.barrier barrier_id(%barrier3A_8)
    %mul3A_9 = arith.constant 632 : i32
    %mul3A_10 = arith.muli %arg1, %mul3A_9 : i32
    %mul3A_11 = arith.constant 10112 : i32
    %mul3A_12 = arith.muli %arg0, %mul3A_11 : i32
    %mul3A_13 = arith.constant 632 : i32
    %mul3A_14 = arith.muli %arg1, %mul3A_13 : i32
    %add3A_15 = arith.addi %mul3A_12, %mul3A_14 : i32
    "tpu.region"() ({
      %run_scoped3A = tpu.sem_alloc : memref<!tpu.dma_semaphore, #tpu.memory_space<semaphore_mem>>
      %dma_start3A = arith.constant 0 : i32
      %dma_start3A_16 = tpu.memref_slice %arg5[%add3A_15, %dma_start3A] : memref<20224x16xf32, #tpu.memory_space<hbm>> -> memref<632x16xf32, #tpu.memory_space<hbm>>
      %dma_start3A_17 = arith.constant 0 : i32
      %dma_start3A_18 = tpu.memref_slice %arg8[%mul3A_10, %dma_start3A_17] : memref<10112x16xf32, #tpu.memory_space<vmem_shared>> -> memref<632x16xf32, #tpu.memory_space<vmem_shared>>
      tpu.enqueue_dma source(%dma_start3A_18 : memref<632x16xf32, #tpu.memory_space<vmem_shared>>) target(%dma_start3A_16 : memref<632x16xf32, #tpu.memory_space<hbm>>) target_semaphore(%run_scoped3A : memref<!tpu.dma_semaphore, #tpu.memory_space<semaphore_mem>>)
      %dma_wait3A = arith.constant 0 : i32
      %dma_wait3A_19 = tpu.memref_slice %arg5[%add3A_15, %dma_wait3A] : memref<20224x16xf32, #tpu.memory_space<hbm>> -> memref<632x16xf32, #tpu.memory_space<hbm>>
      %dma_wait3A_20 = arith.constant 0 : i32
      %dma_wait3A_21 = tpu.memref_slice %arg8[%mul3A_10, %dma_wait3A_20] : memref<10112x16xf32, #tpu.memory_space<vmem_shared>> -> memref<632x16xf32, #tpu.memory_space<vmem_shared>>
      tpu.wait_dma2 semaphore(%run_scoped3A : memref<!tpu.dma_semaphore, #tpu.memory_space<semaphore_mem>>) src(%dma_wait3A_21 : memref<632x16xf32, #tpu.memory_space<vmem_shared>>) dst(%dma_wait3A_19 : memref<632x16xf32, #tpu.memory_space<hbm>>)
      tpu.yield
    }) : () -> ()
    return
  }
}

#map = affine_map<(d0, d1) -> (0, 0)>
#map1 = affine_map<(d0, d1) -> (0)>
module attributes {stable_mosaic.version = 14 : i64} {
  func.func @agg(%arg0: i32, %arg1: i32, %arg2: memref<10000x128xf32, #tpu.memory_space<hbm>>, %arg3: memref<331776xi32, #tpu.memory_space<hbm>>, %arg4: memref<331776xi32, #tpu.memory_space<hbm>>, %arg5: memref<632x128xf32, #tpu.memory_space<hbm>>, %arg6: memref<20224x128xf32, #tpu.memory_space<hbm>>, %arg7: memref<128xi32, #tpu.memory_space<vmem>>, %arg8: memref<128xi32, #tpu.memory_space<vmem>>, %arg9: memref<128x128xf32, #tpu.memory_space<vmem>>, %arg10: memref<10112x128xf32, #tpu.memory_space<vmem_shared>>, %arg11: memref<!tpu.dma_semaphore, #tpu.memory_space<semaphore_mem>>) attributes {dimension_semantics = [#tpu.dimension_semantics<core_parallel>, #tpu.dimension_semantics<subcore_parallel>], iteration_bounds = array<i64: 2, 16>, scalar_prefetch = 0 : i64, scratch_operands = 5 : i64, tpu.core_type = #tpu.core_type<sc_vector_subcore>, window_params = [{transform_indices = #map}, {transform_indices = #map1}, {transform_indices = #map1}, {transform_indices = #map}, {transform_indices = #map}]} {
    %mul3A = arith.constant 2 : i32
    %mul3A_0 = arith.muli %arg1, %mul3A : i32
    %add3A = arith.addi %mul3A_0, %arg0 : i32
    %mul3A_1 = arith.constant 632 : i32
    %mul3A_2 = arith.muli %arg1, %mul3A_1 : i32
    "tpu.region"() ({
      %run_scoped3A = tpu.sem_alloc : memref<!tpu.dma_semaphore, #tpu.memory_space<semaphore_mem>>
      %dma_start3A = arith.constant 0 : i32
      %dma_start3A_16 = tpu.memref_slice %arg10[%mul3A_2, %dma_start3A] : memref<10112x128xf32, #tpu.memory_space<vmem_shared>> -> memref<632x128xf32, #tpu.memory_space<vmem_shared>>
      tpu.enqueue_dma source(%arg5 : memref<632x128xf32, #tpu.memory_space<hbm>>) target(%dma_start3A_16 : memref<632x128xf32, #tpu.memory_space<vmem_shared>>) target_semaphore(%run_scoped3A : memref<!tpu.dma_semaphore, #tpu.memory_space<semaphore_mem>>)
      %dma_wait3A = arith.constant 0 : i32
      %dma_wait3A_17 = tpu.memref_slice %arg10[%mul3A_2, %dma_wait3A] : memref<10112x128xf32, #tpu.memory_space<vmem_shared>> -> memref<632x128xf32, #tpu.memory_space<vmem_shared>>
      tpu.wait_dma2 semaphore(%run_scoped3A : memref<!tpu.dma_semaphore, #tpu.memory_space<semaphore_mem>>) src(%arg5 : memref<632x128xf32, #tpu.memory_space<hbm>>) dst(%dma_wait3A_17 : memref<632x128xf32, #tpu.memory_space<vmem_shared>>)
      tpu.yield
    }) : () -> ()
    %barrier3A = arith.constant 0 : index
    tpu.barrier barrier_id(%barrier3A)
    %scan3A = arith.constant 0 : i32
    %scan3A_3 = arith.constant 0 : i32
    %scan3A_4 = arith.constant 81 : i32
    %scan3A_5 = arith.addi %scan3A_3, %scan3A_4 : i32
    %scan3A_6 = arith.constant 1 : i32
    scf.for %scan3A_16 = %scan3A_3 to %scan3A_5 step %scan3A_6  : i32 {
      %mul3A_17 = arith.constant 81 : i32
      %mul3A_18 = arith.muli %add3A, %mul3A_17 : i32
      %add3A_19 = arith.addi %mul3A_18, %scan3A_16 : i32
      %mul3A_20 = arith.constant 128 : i32
      %mul3A_21 = arith.muli %add3A_19, %mul3A_20 : i32
      "tpu.region"() ({
        %run_scoped3A = tpu.sem_alloc : memref<!tpu.dma_semaphore, #tpu.memory_space<semaphore_mem>>
        %dma_start3A_26 = tpu.memref_slice %arg3[%mul3A_21] : memref<331776xi32, #tpu.memory_space<hbm>> -> memref<128xi32, #tpu.memory_space<hbm>>
        %dma_start3A_27 = tpu.memref_slice %arg3[%mul3A_21] : memref<331776xi32, #tpu.memory_space<hbm>> -> memref<128xi32, #tpu.memory_space<hbm>>
        tpu.enqueue_dma source(%dma_start3A_27 : memref<128xi32, #tpu.memory_space<hbm>>) target(%arg7 : memref<128xi32, #tpu.memory_space<vmem>>) target_semaphore(%run_scoped3A : memref<!tpu.dma_semaphore, #tpu.memory_space<semaphore_mem>>)
        %dma_wait3A_28 = tpu.memref_slice %arg3[%mul3A_21] : memref<331776xi32, #tpu.memory_space<hbm>> -> memref<128xi32, #tpu.memory_space<hbm>>
        %dma_wait3A_29 = tpu.memref_slice %arg3[%mul3A_21] : memref<331776xi32, #tpu.memory_space<hbm>> -> memref<128xi32, #tpu.memory_space<hbm>>
        tpu.wait_dma2 semaphore(%run_scoped3A : memref<!tpu.dma_semaphore, #tpu.memory_space<semaphore_mem>>) src(%dma_wait3A_29 : memref<128xi32, #tpu.memory_space<hbm>>) dst(%arg7 : memref<128xi32, #tpu.memory_space<vmem>>)
        tpu.yield
      }) : () -> ()
      "tpu.region"() ({
        %run_scoped3A = tpu.sem_alloc : memref<!tpu.dma_semaphore, #tpu.memory_space<semaphore_mem>>
        %dma_start3A_26 = tpu.memref_slice %arg4[%mul3A_21] : memref<331776xi32, #tpu.memory_space<hbm>> -> memref<128xi32, #tpu.memory_space<hbm>>
        %dma_start3A_27 = tpu.memref_slice %arg4[%mul3A_21] : memref<331776xi32, #tpu.memory_space<hbm>> -> memref<128xi32, #tpu.memory_space<hbm>>
        tpu.enqueue_dma source(%dma_start3A_27 : memref<128xi32, #tpu.memory_space<hbm>>) target(%arg8 : memref<128xi32, #tpu.memory_space<vmem>>) target_semaphore(%run_scoped3A : memref<!tpu.dma_semaphore, #tpu.memory_space<semaphore_mem>>)
        %dma_wait3A_28 = tpu.memref_slice %arg4[%mul3A_21] : memref<331776xi32, #tpu.memory_space<hbm>> -> memref<128xi32, #tpu.memory_space<hbm>>
        %dma_wait3A_29 = tpu.memref_slice %arg4[%mul3A_21] : memref<331776xi32, #tpu.memory_space<hbm>> -> memref<128xi32, #tpu.memory_space<hbm>>
        tpu.wait_dma2 semaphore(%run_scoped3A : memref<!tpu.dma_semaphore, #tpu.memory_space<semaphore_mem>>) src(%dma_wait3A_29 : memref<128xi32, #tpu.memory_space<hbm>>) dst(%arg8 : memref<128xi32, #tpu.memory_space<vmem>>)
        tpu.yield
      }) : () -> ()
      %dma_start3A = arith.constant 0 : i32
      %dma_start3A_22 = arith.constant 0 : i32
      %dma_start3A_23 = tpu.memref_slice %arg2[%dma_start3A, %dma_start3A_22] : memref<10000x128xf32, #tpu.memory_space<hbm>> -> memref<10000x128xf32, #tpu.memory_space<hbm>>
      tpu.enqueue_indirect_dma source(%dma_start3A_23 : memref<10000x128xf32, #tpu.memory_space<hbm>>) target(%arg9 : memref<128x128xf32, #tpu.memory_space<vmem>>) offsets(%arg7 : memref<128xi32, #tpu.memory_space<vmem>>) semaphore(%arg11 : memref<!tpu.dma_semaphore, #tpu.memory_space<semaphore_mem>>)
      %dma_wait3A = arith.constant 0 : i32
      %dma_wait3A_24 = arith.constant 0 : i32
      %dma_wait3A_25 = tpu.memref_slice %arg2[%dma_wait3A, %dma_wait3A_24] : memref<10000x128xf32, #tpu.memory_space<hbm>> -> memref<10000x128xf32, #tpu.memory_space<hbm>>
      tpu.wait_indirect_dma semaphore(%arg11 : memref<!tpu.dma_semaphore, #tpu.memory_space<semaphore_mem>>) src(%dma_wait3A_25 : memref<10000x128xf32, #tpu.memory_space<hbm>>) dst(%arg9 : memref<128x128xf32, #tpu.memory_space<vmem>>)
      "tpu.region"() ({
        %run_scoped3A = tpu.sem_alloc : memref<!tpu.dma_semaphore, #tpu.memory_space<semaphore_mem>>
        %dma_start3A_26 = arith.constant 0 : i32
        %dma_start3A_27 = arith.constant 0 : i32
        %dma_start3A_28 = tpu.memref_slice %arg10[%dma_start3A_26, %dma_start3A_27] : memref<10112x128xf32, #tpu.memory_space<vmem_shared>> -> memref<10112x128xf32, #tpu.memory_space<vmem_shared>>
        tpu.enqueue_indirect_dma source(%arg9 : memref<128x128xf32, #tpu.memory_space<vmem>>) target(%dma_start3A_28 : memref<10112x128xf32, #tpu.memory_space<vmem_shared>>) offsets(%arg8 : memref<128xi32, #tpu.memory_space<vmem>>) semaphore(%run_scoped3A : memref<!tpu.dma_semaphore, #tpu.memory_space<semaphore_mem>>) {add = true}
        %dma_wait3A_29 = arith.constant 0 : i32
        %dma_wait3A_30 = arith.constant 0 : i32
        %dma_wait3A_31 = tpu.memref_slice %arg10[%dma_wait3A_29, %dma_wait3A_30] : memref<10112x128xf32, #tpu.memory_space<vmem_shared>> -> memref<10112x128xf32, #tpu.memory_space<vmem_shared>>
        tpu.wait_indirect_dma semaphore(%run_scoped3A : memref<!tpu.dma_semaphore, #tpu.memory_space<semaphore_mem>>) src(%arg9 : memref<128x128xf32, #tpu.memory_space<vmem>>) dst(%dma_wait3A_31 : memref<10112x128xf32, #tpu.memory_space<vmem_shared>>)
        tpu.yield
      }) : () -> ()
    }
    %scan3A_7 = arith.constant 81 : i32
    %barrier3A_8 = arith.constant 0 : index
    tpu.barrier barrier_id(%barrier3A_8)
    %mul3A_9 = arith.constant 632 : i32
    %mul3A_10 = arith.muli %arg1, %mul3A_9 : i32
    %mul3A_11 = arith.constant 10112 : i32
    %mul3A_12 = arith.muli %arg0, %mul3A_11 : i32
    %mul3A_13 = arith.constant 632 : i32
    %mul3A_14 = arith.muli %arg1, %mul3A_13 : i32
    %add3A_15 = arith.addi %mul3A_12, %mul3A_14 : i32
    "tpu.region"() ({
      %run_scoped3A = tpu.sem_alloc : memref<!tpu.dma_semaphore, #tpu.memory_space<semaphore_mem>>
      %dma_start3A = arith.constant 0 : i32
      %dma_start3A_16 = tpu.memref_slice %arg6[%add3A_15, %dma_start3A] : memref<20224x128xf32, #tpu.memory_space<hbm>> -> memref<632x128xf32, #tpu.memory_space<hbm>>
      %dma_start3A_17 = arith.constant 0 : i32
      %dma_start3A_18 = tpu.memref_slice %arg10[%mul3A_10, %dma_start3A_17] : memref<10112x128xf32, #tpu.memory_space<vmem_shared>> -> memref<632x128xf32, #tpu.memory_space<vmem_shared>>
      tpu.enqueue_dma source(%dma_start3A_18 : memref<632x128xf32, #tpu.memory_space<vmem_shared>>) target(%dma_start3A_16 : memref<632x128xf32, #tpu.memory_space<hbm>>) target_semaphore(%run_scoped3A : memref<!tpu.dma_semaphore, #tpu.memory_space<semaphore_mem>>)
      %dma_wait3A = arith.constant 0 : i32
      %dma_wait3A_19 = tpu.memref_slice %arg6[%add3A_15, %dma_wait3A] : memref<20224x128xf32, #tpu.memory_space<hbm>> -> memref<632x128xf32, #tpu.memory_space<hbm>>
      %dma_wait3A_20 = arith.constant 0 : i32
      %dma_wait3A_21 = tpu.memref_slice %arg10[%mul3A_10, %dma_wait3A_20] : memref<10112x128xf32, #tpu.memory_space<vmem_shared>> -> memref<632x128xf32, #tpu.memory_space<vmem_shared>>
      tpu.wait_dma2 semaphore(%run_scoped3A : memref<!tpu.dma_semaphore, #tpu.memory_space<semaphore_mem>>) src(%dma_wait3A_21 : memref<632x128xf32, #tpu.memory_space<vmem_shared>>) dst(%dma_wait3A_19 : memref<632x128xf32, #tpu.memory_space<hbm>>)
      tpu.yield
    }) : () -> ()
    return
  }
}

#map = affine_map<(d0, d1) -> (0, 0)>
#map1 = affine_map<(d0, d1) -> (0)>
module attributes {stable_mosaic.version = 14 : i64} {
  func.func @agg(%arg0: i32, %arg1: i32, %arg2: memref<10000x128xf32, #tpu.memory_space<hbm>>, %arg3: memref<331776xi32, #tpu.memory_space<hbm>>, %arg4: memref<331776xi32, #tpu.memory_space<hbm>>, %arg5: memref<632x128xf32, #tpu.memory_space<hbm>>, %arg6: memref<20224x128xf32, #tpu.memory_space<hbm>>, %arg7: memref<128xi32, #tpu.memory_space<vmem>>, %arg8: memref<128xi32, #tpu.memory_space<vmem>>, %arg9: memref<128x128xf32, #tpu.memory_space<vmem>>, %arg10: memref<10112x128xf32, #tpu.memory_space<vmem_shared>>, %arg11: memref<!tpu.dma_semaphore, #tpu.memory_space<semaphore_mem>>) attributes {dimension_semantics = [#tpu.dimension_semantics<core_parallel>, #tpu.dimension_semantics<subcore_parallel>], iteration_bounds = array<i64: 2, 16>, scalar_prefetch = 0 : i64, scratch_operands = 5 : i64, tpu.core_type = #tpu.core_type<sc_vector_subcore>, window_params = [{transform_indices = #map}, {transform_indices = #map1}, {transform_indices = #map1}, {transform_indices = #map}, {transform_indices = #map}]} {
    %mul3A = arith.constant 2 : i32
    %mul3A_0 = arith.muli %arg1, %mul3A : i32
    %add3A = arith.addi %mul3A_0, %arg0 : i32
    %mul3A_1 = arith.constant 632 : i32
    %mul3A_2 = arith.muli %arg1, %mul3A_1 : i32
    "tpu.region"() ({
      %run_scoped3A = tpu.sem_alloc : memref<!tpu.dma_semaphore, #tpu.memory_space<semaphore_mem>>
      %dma_start3A = arith.constant 0 : i32
      %dma_start3A_16 = tpu.memref_slice %arg10[%mul3A_2, %dma_start3A] : memref<10112x128xf32, #tpu.memory_space<vmem_shared>> -> memref<632x128xf32, #tpu.memory_space<vmem_shared>>
      tpu.enqueue_dma source(%arg5 : memref<632x128xf32, #tpu.memory_space<hbm>>) target(%dma_start3A_16 : memref<632x128xf32, #tpu.memory_space<vmem_shared>>) target_semaphore(%run_scoped3A : memref<!tpu.dma_semaphore, #tpu.memory_space<semaphore_mem>>)
      %dma_wait3A = arith.constant 0 : i32
      %dma_wait3A_17 = tpu.memref_slice %arg10[%mul3A_2, %dma_wait3A] : memref<10112x128xf32, #tpu.memory_space<vmem_shared>> -> memref<632x128xf32, #tpu.memory_space<vmem_shared>>
      tpu.wait_dma2 semaphore(%run_scoped3A : memref<!tpu.dma_semaphore, #tpu.memory_space<semaphore_mem>>) src(%arg5 : memref<632x128xf32, #tpu.memory_space<hbm>>) dst(%dma_wait3A_17 : memref<632x128xf32, #tpu.memory_space<vmem_shared>>)
      tpu.yield
    }) : () -> ()
    %barrier3A = arith.constant 0 : index
    tpu.barrier barrier_id(%barrier3A)
    %scan3A = arith.constant 0 : i32
    %scan3A_3 = arith.constant 0 : i32
    %scan3A_4 = arith.constant 81 : i32
    %scan3A_5 = arith.addi %scan3A_3, %scan3A_4 : i32
    %scan3A_6 = arith.constant 1 : i32
    scf.for %scan3A_16 = %scan3A_3 to %scan3A_5 step %scan3A_6  : i32 {
      %mul3A_17 = arith.constant 81 : i32
      %mul3A_18 = arith.muli %add3A, %mul3A_17 : i32
      %add3A_19 = arith.addi %mul3A_18, %scan3A_16 : i32
      %mul3A_20 = arith.constant 128 : i32
      %mul3A_21 = arith.muli %add3A_19, %mul3A_20 : i32
      "tpu.region"() ({
        %run_scoped3A = tpu.sem_alloc : memref<!tpu.dma_semaphore, #tpu.memory_space<semaphore_mem>>
        %dma_start3A_26 = tpu.memref_slice %arg3[%mul3A_21] : memref<331776xi32, #tpu.memory_space<hbm>> -> memref<128xi32, #tpu.memory_space<hbm>>
        %dma_start3A_27 = tpu.memref_slice %arg3[%mul3A_21] : memref<331776xi32, #tpu.memory_space<hbm>> -> memref<128xi32, #tpu.memory_space<hbm>>
        tpu.enqueue_dma source(%dma_start3A_27 : memref<128xi32, #tpu.memory_space<hbm>>) target(%arg7 : memref<128xi32, #tpu.memory_space<vmem>>) target_semaphore(%run_scoped3A : memref<!tpu.dma_semaphore, #tpu.memory_space<semaphore_mem>>)
        %dma_wait3A_28 = tpu.memref_slice %arg3[%mul3A_21] : memref<331776xi32, #tpu.memory_space<hbm>> -> memref<128xi32, #tpu.memory_space<hbm>>
        %dma_wait3A_29 = tpu.memref_slice %arg3[%mul3A_21] : memref<331776xi32, #tpu.memory_space<hbm>> -> memref<128xi32, #tpu.memory_space<hbm>>
        tpu.wait_dma2 semaphore(%run_scoped3A : memref<!tpu.dma_semaphore, #tpu.memory_space<semaphore_mem>>) src(%dma_wait3A_29 : memref<128xi32, #tpu.memory_space<hbm>>) dst(%arg7 : memref<128xi32, #tpu.memory_space<vmem>>)
        tpu.yield
      }) : () -> ()
      "tpu.region"() ({
        %run_scoped3A = tpu.sem_alloc : memref<!tpu.dma_semaphore, #tpu.memory_space<semaphore_mem>>
        %dma_start3A_26 = tpu.memref_slice %arg4[%mul3A_21] : memref<331776xi32, #tpu.memory_space<hbm>> -> memref<128xi32, #tpu.memory_space<hbm>>
        %dma_start3A_27 = tpu.memref_slice %arg4[%mul3A_21] : memref<331776xi32, #tpu.memory_space<hbm>> -> memref<128xi32, #tpu.memory_space<hbm>>
        tpu.enqueue_dma source(%dma_start3A_27 : memref<128xi32, #tpu.memory_space<hbm>>) target(%arg8 : memref<128xi32, #tpu.memory_space<vmem>>) target_semaphore(%run_scoped3A : memref<!tpu.dma_semaphore, #tpu.memory_space<semaphore_mem>>)
        %dma_wait3A_28 = tpu.memref_slice %arg4[%mul3A_21] : memref<331776xi32, #tpu.memory_space<hbm>> -> memref<128xi32, #tpu.memory_space<hbm>>
        %dma_wait3A_29 = tpu.memref_slice %arg4[%mul3A_21] : memref<331776xi32, #tpu.memory_space<hbm>> -> memref<128xi32, #tpu.memory_space<hbm>>
        tpu.wait_dma2 semaphore(%run_scoped3A : memref<!tpu.dma_semaphore, #tpu.memory_space<semaphore_mem>>) src(%dma_wait3A_29 : memref<128xi32, #tpu.memory_space<hbm>>) dst(%arg8 : memref<128xi32, #tpu.memory_space<vmem>>)
        tpu.yield
      }) : () -> ()
      %dma_start3A = arith.constant 0 : i32
      %dma_start3A_22 = arith.constant 0 : i32
      %dma_start3A_23 = tpu.memref_slice %arg2[%dma_start3A, %dma_start3A_22] : memref<10000x128xf32, #tpu.memory_space<hbm>> -> memref<10000x128xf32, #tpu.memory_space<hbm>>
      tpu.enqueue_indirect_dma source(%dma_start3A_23 : memref<10000x128xf32, #tpu.memory_space<hbm>>) target(%arg9 : memref<128x128xf32, #tpu.memory_space<vmem>>) offsets(%arg7 : memref<128xi32, #tpu.memory_space<vmem>>) semaphore(%arg11 : memref<!tpu.dma_semaphore, #tpu.memory_space<semaphore_mem>>)
      %dma_wait3A = arith.constant 0 : i32
      %dma_wait3A_24 = arith.constant 0 : i32
      %dma_wait3A_25 = tpu.memref_slice %arg2[%dma_wait3A, %dma_wait3A_24] : memref<10000x128xf32, #tpu.memory_space<hbm>> -> memref<10000x128xf32, #tpu.memory_space<hbm>>
      tpu.wait_indirect_dma semaphore(%arg11 : memref<!tpu.dma_semaphore, #tpu.memory_space<semaphore_mem>>) src(%dma_wait3A_25 : memref<10000x128xf32, #tpu.memory_space<hbm>>) dst(%arg9 : memref<128x128xf32, #tpu.memory_space<vmem>>)
      "tpu.region"() ({
        %run_scoped3A = tpu.sem_alloc : memref<!tpu.dma_semaphore, #tpu.memory_space<semaphore_mem>>
        %dma_start3A_26 = arith.constant 0 : i32
        %dma_start3A_27 = arith.constant 0 : i32
        %dma_start3A_28 = tpu.memref_slice %arg10[%dma_start3A_26, %dma_start3A_27] : memref<10112x128xf32, #tpu.memory_space<vmem_shared>> -> memref<10112x128xf32, #tpu.memory_space<vmem_shared>>
        tpu.enqueue_indirect_dma source(%arg9 : memref<128x128xf32, #tpu.memory_space<vmem>>) target(%dma_start3A_28 : memref<10112x128xf32, #tpu.memory_space<vmem_shared>>) offsets(%arg8 : memref<128xi32, #tpu.memory_space<vmem>>) semaphore(%run_scoped3A : memref<!tpu.dma_semaphore, #tpu.memory_space<semaphore_mem>>) {add = true}
        %dma_wait3A_29 = arith.constant 0 : i32
        %dma_wait3A_30 = arith.constant 0 : i32
        %dma_wait3A_31 = tpu.memref_slice %arg10[%dma_wait3A_29, %dma_wait3A_30] : memref<10112x128xf32, #tpu.memory_space<vmem_shared>> -> memref<10112x128xf32, #tpu.memory_space<vmem_shared>>
        tpu.wait_indirect_dma semaphore(%run_scoped3A : memref<!tpu.dma_semaphore, #tpu.memory_space<semaphore_mem>>) src(%arg9 : memref<128x128xf32, #tpu.memory_space<vmem>>) dst(%dma_wait3A_31 : memref<10112x128xf32, #tpu.memory_space<vmem_shared>>)
        tpu.yield
      }) : () -> ()
    }
    %scan3A_7 = arith.constant 81 : i32
    %barrier3A_8 = arith.constant 0 : index
    tpu.barrier barrier_id(%barrier3A_8)
    %mul3A_9 = arith.constant 632 : i32
    %mul3A_10 = arith.muli %arg1, %mul3A_9 : i32
    %mul3A_11 = arith.constant 10112 : i32
    %mul3A_12 = arith.muli %arg0, %mul3A_11 : i32
    %mul3A_13 = arith.constant 632 : i32
    %mul3A_14 = arith.muli %arg1, %mul3A_13 : i32
    %add3A_15 = arith.addi %mul3A_12, %mul3A_14 : i32
    "tpu.region"() ({
      %run_scoped3A = tpu.sem_alloc : memref<!tpu.dma_semaphore, #tpu.memory_space<semaphore_mem>>
      %dma_start3A = arith.constant 0 : i32
      %dma_start3A_16 = tpu.memref_slice %arg6[%add3A_15, %dma_start3A] : memref<20224x128xf32, #tpu.memory_space<hbm>> -> memref<632x128xf32, #tpu.memory_space<hbm>>
      %dma_start3A_17 = arith.constant 0 : i32
      %dma_start3A_18 = tpu.memref_slice %arg10[%mul3A_10, %dma_start3A_17] : memref<10112x128xf32, #tpu.memory_space<vmem_shared>> -> memref<632x128xf32, #tpu.memory_space<vmem_shared>>
      tpu.enqueue_dma source(%dma_start3A_18 : memref<632x128xf32, #tpu.memory_space<vmem_shared>>) target(%dma_start3A_16 : memref<632x128xf32, #tpu.memory_space<hbm>>) target_semaphore(%run_scoped3A : memref<!tpu.dma_semaphore, #tpu.memory_space<semaphore_mem>>)
      %dma_wait3A = arith.constant 0 : i32
      %dma_wait3A_19 = tpu.memref_slice %arg6[%add3A_15, %dma_wait3A] : memref<20224x128xf32, #tpu.memory_space<hbm>> -> memref<632x128xf32, #tpu.memory_space<hbm>>
      %dma_wait3A_20 = arith.constant 0 : i32
      %dma_wait3A_21 = tpu.memref_slice %arg10[%mul3A_10, %dma_wait3A_20] : memref<10112x128xf32, #tpu.memory_space<vmem_shared>> -> memref<632x128xf32, #tpu.memory_space<vmem_shared>>
      tpu.wait_dma2 semaphore(%run_scoped3A : memref<!tpu.dma_semaphore, #tpu.memory_space<semaphore_mem>>) src(%dma_wait3A_21 : memref<632x128xf32, #tpu.memory_space<vmem_shared>>) dst(%dma_wait3A_19 : memref<632x128xf32, #tpu.memory_space<hbm>>)
      tpu.yield
    }) : () -> ()
    return
  }
}

module attributes {stable_mosaic.version = 14 : i64} {
  func.func @_tc_first(%arg0: memref<10000x128xf32, #tpu.memory_space<vmem>>, %arg1: memref<128x128xf32, #tpu.memory_space<vmem>>, %arg2: memref<10000x16xf32, #tpu.memory_space<vmem>>, %arg3: memref<10000x16xf32, #tpu.memory_space<vmem>>, %arg4: memref<10000x128xf32, #tpu.memory_space<vmem>>) attributes {dimension_semantics = [], scalar_prefetch = 0 : i64, scratch_operands = 0 : i64, tpu.core_type = #tpu.core_type<tc>} {
    %get3A = arith.constant 0 : index
    %get3A_0 = arith.constant 0 : index
    %get3A_1 = vector.load %arg2[%get3A, %get3A_0] : memref<10000x16xf32, #tpu.memory_space<vmem>>, vector<10000x1xf32>
    %get3A_2 = arith.constant 0 : index
    %get3A_3 = arith.constant 0 : index
    %get3A_4 = vector.load %arg3[%get3A_2, %get3A_3] : memref<10000x16xf32, #tpu.memory_space<vmem>>, vector<10000x1xf32>
    %add3A = arith.addf %get3A_1, %get3A_4 : vector<10000x1xf32>
    %rsqrt3A = math.rsqrt %add3A : vector<10000x1xf32>
    %get3A_5 = arith.constant 0 : index
    %get3A_6 = arith.constant 0 : index
    %get3A_7 = vector.load %arg0[%get3A_5, %get3A_6] : memref<10000x128xf32, #tpu.memory_space<vmem>>, vector<10000x128xf32>
    %get3A_8 = arith.constant 0 : index
    %get3A_9 = arith.constant 0 : index
    %get3A_10 = vector.load %arg1[%get3A_8, %get3A_9] : memref<128x128xf32, #tpu.memory_space<vmem>>, vector<128x128xf32>
    %dot_general3A = arith.constant dense<0.000000e+00> : vector<10000x128xf32>
    %dot_general3A_11 = tpu.matmul %get3A_7, %get3A_10, %dot_general3A {dimension_numbers = #tpu.dot_dimension_numbers<[1], [0], [0], [1], [0, 0, 1, 1], [], []>, transpose_lhs_hint = false} : vector<10000x128xf32>, vector<128x128xf32>, vector<10000x128xf32> -> vector<10000x128xf32>
    %mul3A = vector.broadcast %rsqrt3A : vector<10000x1xf32> to vector<10000x128xf32>
    %mul3A_12 = arith.mulf %dot_general3A_11, %mul3A : vector<10000x128xf32>
    %swap3A = arith.constant 0 : index
    %swap3A_13 = arith.constant 0 : index
    %swap3A_14 = vector.load %arg4[%swap3A, %swap3A_13] : memref<10000x128xf32, #tpu.memory_space<vmem>>, vector<10000x128xf32>
    tpu.vector_store %arg4[%swap3A, %swap3A_13], %mul3A_12 {strides = array<i32>} : memref<10000x128xf32, #tpu.memory_space<vmem>>, vector<10000x128xf32>,
    return
  }
}

module attributes {stable_mosaic.version = 14 : i64} {
  func.func @_tc_mid(%arg0: memref<10000x128xf32, #tpu.memory_space<vmem>>, %arg1: memref<10000x128xf32, #tpu.memory_space<vmem>>, %arg2: memref<10000x16xf32, #tpu.memory_space<vmem>>, %arg3: memref<10000x16xf32, #tpu.memory_space<vmem>>, %arg4: memref<1x128xf32, #tpu.memory_space<vmem>>, %arg5: memref<128x128xf32, #tpu.memory_space<vmem>>, %arg6: memref<10000x128xf32, #tpu.memory_space<vmem>>) attributes {dimension_semantics = [], scalar_prefetch = 0 : i64, scratch_operands = 0 : i64, tpu.core_type = #tpu.core_type<tc>} {
    %get3A = arith.constant 0 : index
    %get3A_0 = arith.constant 0 : index
    %get3A_1 = vector.load %arg2[%get3A, %get3A_0] : memref<10000x16xf32, #tpu.memory_space<vmem>>, vector<10000x1xf32>
    %get3A_2 = arith.constant 0 : index
    %get3A_3 = arith.constant 0 : index
    %get3A_4 = vector.load %arg3[%get3A_2, %get3A_3] : memref<10000x16xf32, #tpu.memory_space<vmem>>, vector<10000x1xf32>
    %add3A = arith.addf %get3A_1, %get3A_4 : vector<10000x1xf32>
    %rsqrt3A = math.rsqrt %add3A : vector<10000x1xf32>
    %get3A_5 = arith.constant 0 : index
    %get3A_6 = arith.constant 0 : index
    %get3A_7 = vector.load %arg0[%get3A_5, %get3A_6] : memref<10000x128xf32, #tpu.memory_space<vmem>>, vector<10000x128xf32>
    %get3A_8 = arith.constant 0 : index
    %get3A_9 = arith.constant 0 : index
    %get3A_10 = vector.load %arg1[%get3A_8, %get3A_9] : memref<10000x128xf32, #tpu.memory_space<vmem>>, vector<10000x128xf32>
    %add3A_11 = arith.addf %get3A_7, %get3A_10 : vector<10000x128xf32>
    %mul3A = vector.broadcast %rsqrt3A : vector<10000x1xf32> to vector<10000x128xf32>
    %mul3A_12 = arith.mulf %add3A_11, %mul3A : vector<10000x128xf32>
    %get3A_13 = arith.constant 0 : index
    %get3A_14 = arith.constant 0 : index
    %get3A_15 = vector.load %arg4[%get3A_13, %get3A_14] : memref<1x128xf32, #tpu.memory_space<vmem>>, vector<1x128xf32>
    %add3A_16 = vector.broadcast %get3A_15 : vector<1x128xf32> to vector<10000x128xf32>
    %add3A_17 = arith.addf %mul3A_12, %add3A_16 : vector<10000x128xf32>
    %max3A = arith.constant 0.000000e+00 : f32
    %max3A_18 = vector.broadcast %max3A : f32 to vector<10000x128xf32>
    %max3A_19 = arith.maximumf %add3A_17, %max3A_18 : vector<10000x128xf32>
    %get3A_20 = arith.constant 0 : index
    %get3A_21 = arith.constant 0 : index
    %get3A_22 = vector.load %arg5[%get3A_20, %get3A_21] : memref<128x128xf32, #tpu.memory_space<vmem>>, vector<128x128xf32>
    %dot_general3A = arith.constant dense<0.000000e+00> : vector<10000x128xf32>
    %dot_general3A_23 = tpu.matmul %max3A_19, %get3A_22, %dot_general3A {dimension_numbers = #tpu.dot_dimension_numbers<[1], [0], [0], [1], [0, 0, 1, 1], [], []>, transpose_lhs_hint = false} : vector<10000x128xf32>, vector<128x128xf32>, vector<10000x128xf32> -> vector<10000x128xf32>
    %mul3A_24 = vector.broadcast %rsqrt3A : vector<10000x1xf32> to vector<10000x128xf32>
    %mul3A_25 = arith.mulf %dot_general3A_23, %mul3A_24 : vector<10000x128xf32>
    %swap3A = arith.constant 0 : index
    %swap3A_26 = arith.constant 0 : index
    %swap3A_27 = vector.load %arg6[%swap3A, %swap3A_26] : memref<10000x128xf32, #tpu.memory_space<vmem>>, vector<10000x128xf32>
    tpu.vector_store %arg6[%swap3A, %swap3A_26], %mul3A_25 {strides = array<i32>} : memref<10000x128xf32, #tpu.memory_space<vmem>>, vector<10000x128xf32>,
    return
  }
}

module attributes {stable_mosaic.version = 14 : i64} {
  func.func @_tc_head(%arg0: memref<10000x128xf32, #tpu.memory_space<vmem>>, %arg1: memref<10000x128xf32, #tpu.memory_space<vmem>>, %arg2: memref<10000x16xf32, #tpu.memory_space<vmem>>, %arg3: memref<10000x16xf32, #tpu.memory_space<vmem>>, %arg4: memref<1x128xf32, #tpu.memory_space<vmem>>, %arg5: memref<1x10000xi32, #tpu.memory_space<vmem>>, %arg6: memref<128x64xf32, #tpu.memory_space<vmem>>, %arg7: memref<1x64xf32, #tpu.memory_space<vmem>>, %arg8: memref<64x1xf32, #tpu.memory_space<vmem>>, %arg9: memref<1x1xf32, #tpu.memory_space<vmem>>, %arg10: memref<64x1xf32, #tpu.memory_space<vmem>>) attributes {dimension_semantics = [], scalar_prefetch = 0 : i64, scratch_operands = 0 : i64, tpu.core_type = #tpu.core_type<tc>} {
    %get3A = arith.constant 0 : index
    %get3A_0 = arith.constant 0 : index
    %get3A_1 = vector.load %arg2[%get3A, %get3A_0] : memref<10000x16xf32, #tpu.memory_space<vmem>>, vector<10000x1xf32>
    %get3A_2 = arith.constant 0 : index
    %get3A_3 = arith.constant 0 : index
    %get3A_4 = vector.load %arg3[%get3A_2, %get3A_3] : memref<10000x16xf32, #tpu.memory_space<vmem>>, vector<10000x1xf32>
    %add3A = arith.addf %get3A_1, %get3A_4 : vector<10000x1xf32>
    %rsqrt3A = math.rsqrt %add3A : vector<10000x1xf32>
    %get3A_5 = arith.constant 0 : index
    %get3A_6 = arith.constant 0 : index
    %get3A_7 = vector.load %arg0[%get3A_5, %get3A_6] : memref<10000x128xf32, #tpu.memory_space<vmem>>, vector<10000x128xf32>
    %get3A_8 = arith.constant 0 : index
    %get3A_9 = arith.constant 0 : index
    %get3A_10 = vector.load %arg1[%get3A_8, %get3A_9] : memref<10000x128xf32, #tpu.memory_space<vmem>>, vector<10000x128xf32>
    %add3A_11 = arith.addf %get3A_7, %get3A_10 : vector<10000x128xf32>
    %mul3A = vector.broadcast %rsqrt3A : vector<10000x1xf32> to vector<10000x128xf32>
    %mul3A_12 = arith.mulf %add3A_11, %mul3A : vector<10000x128xf32>
    %get3A_13 = arith.constant 0 : index
    %get3A_14 = arith.constant 0 : index
    %get3A_15 = vector.load %arg4[%get3A_13, %get3A_14] : memref<1x128xf32, #tpu.memory_space<vmem>>, vector<1x128xf32>
    %add3A_16 = vector.broadcast %get3A_15 : vector<1x128xf32> to vector<10000x128xf32>
    %add3A_17 = arith.addf %mul3A_12, %add3A_16 : vector<10000x128xf32>
    %max3A = arith.constant 0.000000e+00 : f32
    %max3A_18 = vector.broadcast %max3A : f32 to vector<10000x128xf32>
    %max3A_19 = arith.maximumf %add3A_17, %max3A_18 : vector<10000x128xf32>
    %iota3A = tpu.iota {dimensions = array<i32: 0>} : vector<64x10000xi32>
    %get3A_20 = arith.constant 0 : index
    %get3A_21 = arith.constant 0 : index
    %get3A_22 = vector.load %arg5[%get3A_20, %get3A_21] : memref<1x10000xi32, #tpu.memory_space<vmem>>, vector<1x10000xi32>
    %eq3A = vector.broadcast %get3A_22 : vector<1x10000xi32> to vector<64x10000xi32>
    %eq3A_23 = arith.cmpi eq, %eq3A, %iota3A : vector<64x10000xi32>
    %convert_element_type3A = arith.extui %eq3A_23 : vector<64x10000xi1> to vector<64x10000xi32>
    %convert_element_type3A_24 = arith.sitofp %convert_element_type3A : vector<64x10000xi32> to vector<64x10000xf32>
    %dot_general3A = arith.constant dense<0.000000e+00> : vector<64x128xf32>
    %dot_general3A_25 = tpu.matmul %convert_element_type3A_24, %max3A_19, %dot_general3A {dimension_numbers = #tpu.dot_dimension_numbers<[1], [0], [0], [1], [0, 0, 1, 1], [], []>, transpose_lhs_hint = false} : vector<64x10000xf32>, vector<10000x128xf32>, vector<64x128xf32> -> vector<64x128xf32>
    %reduce_sum3A = arith.constant dense<0.000000e+00> : vector<64xf32>
    %reduce_sum3A_26 = vector.multi_reduction <add>, %convert_element_type3A_24, %reduce_sum3A [1] : vector<64x10000xf32> to vector<64xf32>
    %broadcast_in_dim3A = vector.shape_cast %reduce_sum3A_26 : vector<64xf32> to vector<64x1xf32>
    %max3A_27 = arith.constant 1.000000e+00 : f32
    %max3A_28 = vector.broadcast %max3A_27 : f32 to vector<64x1xf32>
    %max3A_29 = arith.maximumf %broadcast_in_dim3A, %max3A_28 : vector<64x1xf32>
    %div3A = vector.broadcast %max3A_29 : vector<64x1xf32> to vector<64x128xf32>
    %div3A_30 = arith.divf %dot_general3A_25, %div3A : vector<64x128xf32>
    %get3A_31 = arith.constant 0 : index
    %get3A_32 = arith.constant 0 : index
    %get3A_33 = vector.load %arg6[%get3A_31, %get3A_32] : memref<128x64xf32, #tpu.memory_space<vmem>>, vector<128x64xf32>
    %dot_general3A_34 = arith.constant dense<0.000000e+00> : vector<64x64xf32>
    %dot_general3A_35 = tpu.matmul %div3A_30, %get3A_33, %dot_general3A_34 {dimension_numbers = #tpu.dot_dimension_numbers<[1], [0], [0], [1], [0, 0, 1, 1], [], []>, transpose_lhs_hint = false} : vector<64x128xf32>, vector<128x64xf32>, vector<64x64xf32> -> vector<64x64xf32>
    %get3A_36 = arith.constant 0 : index
    %get3A_37 = arith.constant 0 : index
    %get3A_38 = vector.load %arg7[%get3A_36, %get3A_37] : memref<1x64xf32, #tpu.memory_space<vmem>>, vector<1x64xf32>
    %add3A_39 = vector.broadcast %get3A_38 : vector<1x64xf32> to vector<64x64xf32>
    %add3A_40 = arith.addf %dot_general3A_35, %add3A_39 : vector<64x64xf32>
    %max3A_41 = arith.constant 0.000000e+00 : f32
    %max3A_42 = vector.broadcast %max3A_41 : f32 to vector<64x64xf32>
    %max3A_43 = arith.maximumf %add3A_40, %max3A_42 : vector<64x64xf32>
    %get3A_44 = arith.constant 0 : index
    %get3A_45 = arith.constant 0 : index
    %get3A_46 = vector.load %arg8[%get3A_44, %get3A_45] : memref<64x1xf32, #tpu.memory_space<vmem>>, vector<64x1xf32>
    %dot_general3A_47 = arith.constant dense<0.000000e+00> : vector<64x1xf32>
    %dot_general3A_48 = tpu.matmul %max3A_43, %get3A_46, %dot_general3A_47 {dimension_numbers = #tpu.dot_dimension_numbers<[1], [0], [0], [1], [0, 0, 1, 1], [], []>, transpose_lhs_hint = false} : vector<64x64xf32>, vector<64x1xf32>, vector<64x1xf32> -> vector<64x1xf32>
    %get3A_49 = arith.constant 0 : index
    %get3A_50 = arith.constant 0 : index
    %get3A_51 = vector.load %arg9[%get3A_49, %get3A_50] : memref<1x1xf32, #tpu.memory_space<vmem>>, vector<1x1xf32>
    %add3A_52 = vector.broadcast %get3A_51 : vector<1x1xf32> to vector<64x1xf32>
    %add3A_53 = arith.addf %dot_general3A_48, %add3A_52 : vector<64x1xf32>
    %swap3A = arith.constant 0 : index
    %swap3A_54 = arith.constant 0 : index
    %swap3A_55 = vector.load %arg10[%swap3A, %swap3A_54] : memref<64x1xf32, #tpu.memory_space<vmem>>, vector<64x1xf32>
    tpu.vector_store %arg10[%swap3A, %swap3A_54], %add3A_53 {strides = array<i32>} : memref<64x1xf32, #tpu.memory_space<vmem>>, vector<64x1xf32>,
    return
  }
}

</mosaic_0001>

<sc_bundles>
// kernel: kernel.10.cloned.1.call-start
scs
__scs_entry_jumppad:
0x0: {  	(pc) =	sbr.rel $0x88, $3  }
0x1: {  	(tag) =	ssettag $0x0;
	lr =	simm.s32 $0x1  }
0x2: {  	[smem:$0x3F94] =	sst lr;
	_ =	strace $0xD0000000  }
0x3: {  	_ = 	snop  }
0x4: {  	_ = 	snop  }
0x5: {  	_ = 	snop  }
0x6: {  	_ = 	snop  }
0x7: {  	_ = 	snop  }
__scs_overlays_trampoline_lowered:
0x8: {  	[smem:$0x3FA3] =	sst s0  }
0x9: {  	[smem:$0x3FA4] =	sst s1  }
0xa: {  	[smem:$0x3FA5] =	sst s2  }
0xb: {  	[smem:$0x3FA6] =	sst s3  }
0xc: {  	[smem:$0x3FA7] =	sst s4  }
0xd: {  	[smem:$0x3FA8] =	sst s5  }
0xe: {  	[smem:$0x3FA9] =	sst s6  }
0xf: {  	[smem:$0x3FAA] =	sst s7  }
0x10: {  	[smem:$0x3FAB] =	sst s8  }
0x11: {  	[smem:$0x3FAC] =	sst s9;
	s0 =	simm.s32 @!p0 $0x0  }
0x12: {  	s1 =	sld [smem:$0x3F92];
	s0 =	simm.s32 @p0 $0x1  }
0x13: {  	[smem:$0x3FAD] =	sst s0;
	s0 =	simm.s32 @!p1 $0x0  }
0x14: {  	s2 =	sld [smem:$0x3F91];
	s0 =	simm.s32 @p1 $0x1  }
0x15: {  	[smem:$0x3FAE] =	sst s0;
	s0 =	simm.s32 @!p2 $0x0  }
0x16: {  	s3 =	sld [smem:$0x3FDB];
	s0 =	simm.s32 @p2 $0x1  }
0x17: {  	s4 =	simm.s32 $0x1BF5;
	[smem:$0x3FB0] =	sst s0  }
0x18: {  	s0 =	sld [smem:$0x3F93];
	_ =	swait.ge [sflag:s4], $0x0  }
0x19: {  	s7 =	sld [smem:$0x3F94]  }
0x1a: {  	s8 =	sadd.s32 $0xFFFFE003, lr  }
0x1b: {  	s9 =	sadd.s32 $0xFFFFFEF7, lr;
	s5 =	simm.s32 $0xFFFFFFFF;
	p2 =	slt.u32 s8, $0xFFFFF086  }
0x1c: {  	p1 =	slt.u32 s9, $0xF7A;
	s5 =	simm.s32 @!p2 $0x0  }
0x1d: {  	s5 =	simm.s32 @p1 $0x1;
	p0 =	seq.s32 s7, s2  }
0x1e: {  	s7 =	smul.u32 @!p0 $0xF7A, s2;
	p2 =	seq.s32 @!p0 s5, $0x0  }
0x1f: {  	s9 =	smul.u32 $0xF7A, s1;
	s8 =	simm.s32 @!p0 $0x1BF5;
	p2 =	por !p2, p0  }
0x20: {  	[sflag:s8] =	ssyncset.s32 @!p0 $0xFFFFF086;
	s6 =	sadd.s32 @!p0 s3, s7;
	s7 =	simm.s32 @!p0 $0x108  }
0x21: {  	s3 =	sadd.s32 s3, s9;
	s6 =	sadd.s32 @!p0 $0x88, s6;
	s7 =	simm.s32 @p2 $0x1082  }
0x22: {  	[simem:s7], [sflag:s8] =	dma.local @!p0 [hbm:s6], $0xF7A  }
0x23: {  	s9 =	sor.u32 $0xD0000000, s2;
	s6 =	simm.s32 $0x108;
	_ =	swait.ge @!p0 [sflag:s8], $0x0  }
0x24: {  	s3 =	sadd.s32 $0x88, s3;
	s6 =	simm.s32 @!p1 $0x1082;
	[sflag:s4] =	ssyncset.s32 $0xFFFFF086  }
0x25: {  	[simem:s6], [sflag:s4] =	dma.local [hbm:s3], $0xF7A  }
0x26: {  	[smem:$0x3F94] =	sst s1;
	(tag) =	ssettag s2;
	_ =	strace s9  }
0x27: {  	s1 =	sld [smem:$0x3FA4]  }
0x28: {  	s2 =	sld [smem:$0x3FA5]  }
0x29: {  	s4 =	sld [smem:$0x3FA7]  }
0x2a: {  	p0 =	seq.s32 s5, $0x0;
	s5 =	sld [smem:$0x3FA8]  }
0x2b: {  	s6 =	sld [smem:$0x3FA9]  }
0x2c: {  	s7 =	sld [smem:$0x3FAA]  }
0x2d: {  	s3 =	simm.s32 $0x108;
	s8 =	sld [smem:$0x3FAB]  }
0x2e: {  	s3 =	simm.s32 @!p0 $0x1082;
	s9 =	sld [smem:$0x3FAC]  }
0x2f: {  	lr =	sadd.s32 s0, s3;
	s0 =	sld [smem:$0x3FA3]  }
0x30: {  	s3 =	sld [smem:$0x3FA6]  }
0x31: {  	[smem:$0x3FAF] =	sst s10  }
0x32: {  	s10 =	sld [smem:$0x3FAD];
	_ =	sdelay $0x3  }
0x33: {  	p0 =	seq.s32 s10, $0x1;
	s10 =	sld [smem:$0x3FAF];
	_ =	sdelay $0x3  }
0x34: {  	[smem:$0x3FAF] =	sst s10  }
0x35: {  	s10 =	sld [smem:$0x3FAE];
	_ =	sdelay $0x3  }
0x36: {  	p1 =	seq.s32 s10, $0x1;
	s10 =	sld [smem:$0x3FAF];
	_ =	sdelay $0x3  }
0x37: {  	[smem:$0x3FAF] =	sst s10  }
0x38: {  	s10 =	sld [smem:$0x3FB0]  }
0x39: {  	_ = 	snop;
	(pc) =	sbr.ind lr, $3  }
0x3a: {  	_ = 	snop  }
0x3b: {  	_ = 	snop  }
0x3c: {  	p2 =	seq.s32 s10, $0x1;
	s10 =	sld [smem:$0x3FAF]  }
0x3d: {  	_ =	shalt  }
0x3e: {  	_ =	shalt  }
0x3f: {  	_ =	shalt  }
0x40: {  	_ =	shalt  }
0x41: {  	_ =	shalt  }
0x42: {  	_ =	shalt  }
0x43: {  	_ =	shalt  }
0x44: {  	_ =	shalt  }
0x45: {  	_ =	shalt  }
0x46: {  	_ =	shalt  }
0x47: {  	_ =	shalt  }
0x48: {  	_ =	shalt  }
0x49: {  	_ =	shalt  }
0x4a: {  	_ =	shalt  }
0x4b: {  	_ =	shalt  }
0x4c: {  	_ =	shalt  }
0x4d: {  	_ =	shalt  }
0x4e: {  	_ =	shalt  }
0x4f: {  	_ =	shalt  }
0x50: {  	_ =	shalt  }
0x51: {  	_ =	shalt  }
0x52: {  	_ =	shalt  }
0x53: {  	_ =	shalt  }
0x54: {  	_ =	shalt  }
0x55: {  	_ =	shalt  }
0x56: {  	_ =	shalt  }
0x57: {  	_ =	shalt  }
0x58: {  	_ =	shalt  }
0x59: {  	_ =	shalt  }
0x5a: {  	_ =	shalt  }
0x5b: {  	_ =	shalt  }
0x5c: {  	_ =	shalt  }
0x5d: {  	_ =	shalt  }
0x5e: {  	_ =	shalt  }
0x5f: {  	_ =	shalt  }
0x60: {  	_ =	shalt  }
0x61: {  	_ =	shalt  }
0x62: {  	_ =	shalt  }
0x63: {  	_ =	shalt  }
0x64: {  	_ =	shalt  }
0x65: {  	_ =	shalt  }
0x66: {  	_ =	shalt  }
0x67: {  	_ =	shalt  }
0x68: {  	_ =	shalt  }
0x69: {  	_ =	shalt  }
0x6a: {  	_ =	shalt  }
0x6b: {  	_ =	shalt  }
0x6c: {  	_ =	shalt  }
0x6d: {  	_ =	shalt  }
0x6e: {  	_ =	shalt  }
0x6f: {  	_ =	shalt  }
0x70: {  	_ =	shalt  }
0x71: {  	_ =	shalt  }
0x72: {  	_ =	shalt  }
0x73: {  	_ =	shalt  }
0x74: {  	_ =	shalt  }
0x75: {  	_ =	shalt  }
0x76: {  	_ =	shalt  }
0x77: {  	_ =	shalt  }
0x78: {  	_ =	shalt  }
0x79: {  	_ =	shalt  }
0x7a: {  	_ =	shalt  }
0x7b: {  	_ =	shalt  }
0x7c: {  	_ =	shalt  }
0x7d: {  	_ =	shalt  }
0x7e: {  	_ =	shalt  }
0x7f: {  	_ =	shalt  }
0x80: {  	_ =	shalt  }
0x81: {  	_ =	shalt  }
0x82: {  	_ =	shalt  }
0x83: {  	_ =	shalt  }
0x84: {  	_ =	shalt  }
0x85: {  	_ =	shalt  }
0x86: {  	_ =	shalt  }
0x87: {  	_ =	shalt  }
.Lfunc_end0:
.L_simem_size_0:
called_computation_lowered:
.L_overlay_start_0:
0x88: {  	s2 =	sld [smem:$0x3FD9]  }
0x89: {  	s3 =	sld [smem:$0x3FFE];
	_ =	sdelay $0x1  }
0x8a: {  	s1 =	srdreg.scid  }
0x8b: {  	s0 =	sand.u32 $0x1, s1  }
0x8c: {  	s16 =	sshll.u32 s0, $0xA;
	s2 =	sadd.s32 s3, s2  }
0x8d: {  	s2 =	sadd.s32 s2, s16  }
0x8e: {  	[smem:$0x3FBB] =	sst s2  }
0x8f: {  	_ = 	snop  }
0x90: {  	(tm) =	ssettm $0x1  }
0x91: {  	s17 =	sld [smem:$0x3FFB];
	_ =	sdelay $0x3  }
0x92: {  	_ =	strace s17  }
0x93: {  	s2 =	sld [smem:$0x3FFC];
	_ =	sdelay $0x3  }
0x94: {  	_ =	strace s2  }
0x95: {  	s2 =	sld [smem:$0x3FFD];
	_ =	sdelay $0x3  }
0x96: {  	_ =	strace s2  }
0x97: {  	_ =	strace $0x8FFFFFFF  }
0x98: {  	s18 =	sld [smem:$0x3FDB];
	_ =	sdelay $0x1  }
0x99: {  	s19 =	simm.s32 $_scs_section_size  }
0x9a: {  	s4 =	simm.s32 $_size__tile_overlayer_lowered;
	s5 =	simm.s32 $_tile_overlayer_lowered  }
0x9b: {  	s22 =	simm.s32 $0x1BFF;
	s21 =	sshll.u32 s5, $0x1;
	s2 =	sadd.s32 s19, s18  }
0x9c: {  	s6 =	simm.s32 $0x0;
	s20 =	sshll.u32 s4, $0x1;
	s4 =	sadd.s32 s21, s2  }
0x9d: {  	[timem:s6], [sflag:s22] =	dma.local [hbm:s4], s20  }
0x9e: {  	_ =	swait.ge [sflag:s22], s20  }
0x9f: {  	s3 =	ssub.s32 $0x0, s20;
	[sflag:s22] =	ssyncset.done $0x0  }
0xa0: {  	[sflag:s22] =	ssyncadd.s32 s3;
	_ =	sdelay $0x1  }
0xa1: {  	s23 =	simm.s32 $0x1B8B  }
0xa2: {  	_ =	swait.ge [sflag:s23], $0x1  }
0xa3: {  	[sflag:s23] =	ssyncset.done $0x0  }
0xa4: {  	s25 =	simm.s32 $0x1B8E;
	s24 =	sld [smem:$0x3FFE];
	[sflag:s23] =	ssyncadd.s32 $0xFFFFFFFF  }
0xa5: {  	s26 =	simm.s32 $execute0_lowered;
	[smem:$0x3FD2] =	sst s25  }
0xa6: {  	s4 =	sshll.u32 s26, $0x1;
	_ =	strace $0x80000046;
	[dreg:$0x1] =	wrdreg $0xFFFFFFFF  }
0xa7: {  	s28 =	simm.s32 $_size_execute0_lowered;
	s2 =	sadd.s32 s2, s4;
	[dreg:$0x0] =	wrdreg $0x0  }
0xa8: {  	s4 =	sshll.u32 s28, $0x1;
	[dreg:$0x2] =	wrdreg s2  }
0xa9: {  	[dreg:$0x3] =	wrdreg s4  }
0xaa: {  	[dreg:$0x4] =	wrdreg $0xC0  }
0xab: {  	_ =	task [dreg:s6], $0x5FFFF  }
0xac: {  	[dreg:$0x1] =	wrdreg $0xFFFFFFFF  }
0xad: {  	[dreg:$0x0] =	wrdreg $0x60  }
0xae: {  	[dreg:$0x2] =	wrdreg s24  }
0xaf: {  	[dreg:$0x3] =	wrdreg $0x40800  }
0xb0: {  	[dreg:$0x4] =	wrdreg $0x9  }
0xb1: {  	_ =	task.clear_ibuf [dreg:s6], $0x5FFFF;
	_ =	strace $0x90000046  }
0xb2: {  	s29 =	simm.s32 $0x9;
	_ =	strace $0x80000048  }
0xb3: {  	_ =	swait.ge [sflag:s29], $0x1  }
0xb4: {  	[sflag:s29] =	ssyncadd.s32 $0xFFFFFFFF  }
0xb5: {  	_ =	strace $0x90000048  }
0xb6: {  	_ =	sfence  }
0xb7: {  	s30 =	sld [smem:$0x0];
	_ =	sdelay $0x2  }
0xb8: {  	s31 =	sshll.u32 s1, $0xD;
	s1 =	sshrl.u32 s1, $0x2  }
0xb9: {  	s3 =	sand.u32 $0x4000, s31;
	s1 =	sadd.s32 s1, s30  }
0xba: {  	s0 =	sor.u32 s3, s0;
	s1 =	sshll.u32 s1, $0x11  }
0xbb: {  	s0 =	sor.u32 s1, s0  }
0xbc: {  	s0 =	sadd.s32 $0x8F2B, s0  }
0xbd: {  	[sflag:s0] =	ssyncadd.remote.s32 $0x1  }
0xbe: {  	_ =	sfence.sel $0xFFFF  }
0xbf: {  	[dreg:$0x0] =	wrdreg $0xFFFFFFFF;
	(pc) =	sbr.abs _section_cstart, $3  }
0xc0: {  	[dreg:$0x1] =	wrdreg $0xFFFFFFFF  }
0xc1: {  	_ =	task.clear_ibuf [dreg:s6], $0x2FFFF;
	_ =	strace $0x9FFFFFFF  }
0xc2: {  	(tm) =	ssettm $0x7FFFFFFF  }
0xc3: {  	_ =	shalt  }
tec
execute0_lowered:
.L_overlay_start_1:
0x0: {  	(tag) =	ssettag $0x1  }
0x1: {  	s6 =	rddreg [dreg:$0x0]  }
0x2: {  	s2 =	rddreg [dreg:$0x1]  }
0x3: {  	s0 =	rddreg [dreg:$0x2];
	s1 =	stileid.u32  }
0x4: {  	s5 =	srdreg.scid;
	s3 =	simm.s32 $0x0;
	s4 =	smul.u32 $0xA20, s1  }
0x5: {  	s13 =	simm.s32 $0x0;
	s7 =	sand.u32 $0x1, s5;
	s29 =	smul.u32 $0x2780, s1  }
0x6: {  	[smem:$0x7FF] =	sst s3;
	s10 =	smul.u32 $0x4F000, s1;
	s5 =	sadd.s32 $0xD800, s6  }
0x7: {  	s31 =	sshll.u32 s1, $0x6;
	s8 =	smul.u32 $0x27800, s7;
	_ =	strace $0x80000047  }
0x8: {  	s30 =	ssub.s32 $0x2, s7;
	s12 =	smul.u32 $0x510, s7;
	s9 =	sadd.s32 s4, s6  }
0x9: {  	s4 =	sadd.s32 $0x10000, s6;
	s11 =	sshrl.u32 s30, $0x1;
	s10 =	sshrl.u32 s10, $0x2  }
0xa: {  	s8 =	sadd.s32 s29, s8;
	s11 =	ssub.s32 s30, s11;
	s10 =	sadd.s32 s10, s2  }
0xb: {  	s9 =	sadd.s32 s12, s9;
	s12 =	simm.s32 $0x80;
	s8 =	sadd.s32 s8, s6  }
0xc: {  	s6 =	sor.u32 $0x1C01, s31;
	s9 =	sadd.s32 $0x3600, s9;
	s10 =	sshrl.u32 s10, $0x3  }
0xd: {  	s7 =	sadd.s32 $0x10800, s8;
	s8 =	smax.u32 s11, $0x1;
	s11 =	simm.s32 $0x1  }
.LBB2_1:
0xe: {  	[spmem:s10], [sflag:s6] =	dma.local [hbm:s5], $0x2780  }
0xf: {  	_ =	swait.ge [sflag:s11], $0x2780  }
0x10: {  	[sflag:s11] =	ssyncset.done $0x0  }
0x11: {  	[sflag:s11] =	ssyncadd.s32 $0xFFFFD880  }
0x12: {  	[tilespmem:s12], [sflag:$0x1] =	stream.linear.gather [hbm4b:s4+s3], $0x4000, $0x38;
	[tilespmem:$0x6800] =	vst v63  }
0x13: {  	_ =	swait.ge [sflag:s11], $0x4000  }
0x14: {  	[sflag:s11] =	ssyncset.done $0x0  }
0x15: {  	[sflag:s11] =	ssyncadd.s32 $0xFFFFC000  }
0x16: {  	s14 =	sadd.s32 $0x0, s9;
	[bflag:$0x0] =	sbarrier.arrive $0xFFFF  }
0x17: {  	[tilespmem:s3], [sflag:$0x1] =	stream.linear.gather [hbm4b:s14+s3], $0x80, $0x38;
	[tilespmem:$0x6800] =	vst v63  }
0x18: {  	_ =	swait.ge [sflag:s11], $0x80  }
0x19: {  	[sflag:s11] =	ssyncset.done $0x0  }
0x1a: {  	[sflag:s11] =	ssyncadd.s32 $0xFFFFFF80  }
0x1b: {  	[spmem:s2] =	stream.indirect.scatter.add.f32 [tilespmem:s12], [sflag:$0x1], $0x10, s3, s12, $0xb8;
	[tilespmem:$0x6800] =	vst v63  }
0x1c: {  	_ =	swait.ge [sflag:s11], $0x800  }
0x1d: {  	s15 =	simm.s32 $0x20;
	s14 =	simm.s32 $0x10;
	[sflag:s11] =	ssyncset.done $0x0  }
.LBB2_2:
0x1e: {  	s16 =	sadd.s32 s14, s9  }
0x1f: {  	[sflag:s11] =	ssyncadd.s32 $0xFFFFF800;
	s14 =	smov.u32 s15;
	s17 =	sadd.s32 $0x10, s15  }
0x20: {  	[tilespmem:s3], [sflag:$0x1] =	stream.linear.gather [hbm4b:s16+s3], $0x80, $0x38;
	[tilespmem:$0x6800] =	vst v63  }
0x21: {  	p0 =	sne.s32 s15, $0x500;
	_ =	swait.ge [sflag:s11], $0x80  }
.Ltmp0:
0x22: {  	[sflag:s11] =	ssyncset.done $0x0;
	(pc) =	sbr.rel @p0 .LBB2_2-.Ltmp0, $4  }
0x23: {  	[sflag:s11] =	ssyncadd.s32 $0xFFFFFF80  }
0x24: {  	[spmem:s2] =	stream.indirect.scatter.add.f32 [tilespmem:s12], [sflag:$0x1], $0x10, s3, s12, $0xb8;
	[tilespmem:$0x6800] =	vst v63  }
0x25: {  	_ =	swait.ge [sflag:s11], $0x800  }
0x26: {  	s15 =	smov.u32 s17;
	[sflag:s11] =	ssyncset.done $0x0  }
0x27: {  	s14 =	sadd.s32 s14, s9;
	[sflag:s11] =	ssyncadd.s32 $0xFFFFF800  }
0x28: {  	[tilespmem:s3], [sflag:$0x1] =	stream.linear.gather [hbm4b:s14+s3], $0x80, $0x38;
	[tilespmem:$0x6800] =	vst v63  }
0x29: {  	_ =	swait.ge [sflag:s11], $0x80  }
0x2a: {  	[sflag:s11] =	ssyncset.done $0x0  }
0x2b: {  	[sflag:s11] =	ssyncadd.s32 $0xFFFFFF80  }
0x2c: {  	[spmem:s2] =	stream.indirect.scatter.add.f32 [tilespmem:s12], [sflag:$0x1], $0x10, s3, s12, $0xb8;
	[tilespmem:$0x6800] =	vst v63  }
0x2d: {  	_ =	swait.ge [sflag:s11], $0x800  }
0x2e: {  	s13 =	sadd.s32 $0x1, s13;
	[sflag:s11] =	ssyncset.done $0x0  }
0x2f: {  	p0 =	sne.s32 s13, s8;
	[sflag:s11] =	ssyncadd.s32 $0xFFFFF800  }
.Ltmp1:
0x30: {  	[bflag:$0x0] =	sbarrier.arrive $0xFFFF;
	(pc) =	sbr.rel @p0 .LBB2_1-.Ltmp1, $4  }
0x31: {  	[hbm:s7], [sflag:s6] =	dma.local [spmem:s10], $0x2780  }
0x32: {  	_ =	swait.ge [sflag:s11], $0x2780  }
0x33: {  	[sflag:s11] =	ssyncset.done $0x0  }
0x34: {  	[sflag:s11] =	ssyncadd.s32 $0xFFFFD880  }
0x35: {  	_ =	sfence.sel $0x180000  }
0x36: {  	[bflag:$0x0] =	sbarrier.arrive $0xFFFF  }
0x37: {  	p0 =	sne.s32 s1, $0x0;
	_ =	strace $0x90000047  }
0x38: {  	s0 =	sadd.s32 @!p0 $0x100000, s0;
	[bflag:$0x2] =	sbarrier.arrive $0xFFFF  }
0x39: {  	[sflag:s0] =	ssyncadd.tile.s32 @!p0 $0x1;
	_ =	shalt  }
.Lfunc_end2:
_tile_overlayer_lowered:
.L_overlay_start_2:
0x3a: {  	(tag) =	ssettag $0x2  }
0x3b: {  	s0 =	rddreg [dreg:$0x0];
	s2 =	stileid.u32  }
0x3c: {  	s1 =	rddreg [dreg:$0x1];
	p0 =	sne.s32 s2, $0x0  }
0x3d: {  	s3 =	rddreg [dreg:$0x2];
	[bflag:$0x3] =	sbarrier.arrive $0xFFFF;
	s2 =	simm.s32 @!p0 $0x1C01  }
0x3e: {  	[timem:s3], [sflag:s2] =	dma.local @!p0 [hbm:s0], s1  }
0x3f: {  	s0 =	simm.s32 @!p0 $0x1  }
0x40: {  	_ =	swait.ge @!p0 [sflag:s0], s1  }
0x41: {  	s1 =	ssub.s32 @!p0 $0x0, s1;
	[sflag:s0] =	ssyncset.done @!p0 $0x0  }
0x42: {  	[sflag:s0] =	ssyncadd.s32 @!p0 s1  }
0x43: {  	[bflag:$0x3] =	sbarrier.arrive $0xFFFF  }
0x44: {  	_ =	shalt  }

// kernel: kernel.13.cloned.1.call-start
scs
__scs_entry_jumppad:
0x0: {  	(pc) =	sbr.rel $0x88, $3  }
0x1: {  	(tag) =	ssettag $0x0;
	lr =	simm.s32 $0x1  }
0x2: {  	[smem:$0x3F94] =	sst lr;
	_ =	strace $0xD0000000  }
0x3: {  	_ = 	snop  }
0x4: {  	_ = 	snop  }
0x5: {  	_ = 	snop  }
0x6: {  	_ = 	snop  }
0x7: {  	_ = 	snop  }
__scs_overlays_trampoline_lowered:
0x8: {  	[smem:$0x3FA3] =	sst s0  }
0x9: {  	[smem:$0x3FA4] =	sst s1  }
0xa: {  	[smem:$0x3FA5] =	sst s2  }
0xb: {  	[smem:$0x3FA6] =	sst s3  }
0xc: {  	[smem:$0x3FA7] =	sst s4  }
0xd: {  	[smem:$0x3FA8] =	sst s5  }
0xe: {  	[smem:$0x3FA9] =	sst s6  }
0xf: {  	[smem:$0x3FAA] =	sst s7  }
0x10: {  	[smem:$0x3FAB] =	sst s8  }
0x11: {  	[smem:$0x3FAC] =	sst s9;
	s0 =	simm.s32 @!p0 $0x0  }
0x12: {  	s1 =	sld [smem:$0x3F92];
	s0 =	simm.s32 @p0 $0x1  }
0x13: {  	[smem:$0x3FAD] =	sst s0;
	s0 =	simm.s32 @!p1 $0x0  }
0x14: {  	s2 =	sld [smem:$0x3F91];
	s0 =	simm.s32 @p1 $0x1  }
0x15: {  	[smem:$0x3FAE] =	sst s0;
	s0 =	simm.s32 @!p2 $0x0  }
0x16: {  	s3 =	sld [smem:$0x3FDB];
	s0 =	simm.s32 @p2 $0x1  }
0x17: {  	s4 =	simm.s32 $0x1BF5;
	[smem:$0x3FB0] =	sst s0  }
0x18: {  	s0 =	sld [smem:$0x3F93];
	_ =	swait.ge [sflag:s4], $0x0  }
0x19: {  	s7 =	sld [smem:$0x3F94]  }
0x1a: {  	s8 =	sadd.s32 $0xFFFFE003, lr  }
0x1b: {  	s9 =	sadd.s32 $0xFFFFFEF7, lr;
	s5 =	simm.s32 $0xFFFFFFFF;
	p2 =	slt.u32 s8, $0xFFFFF086  }
0x1c: {  	p1 =	slt.u32 s9, $0xF7A;
	s5 =	simm.s32 @!p2 $0x0  }
0x1d: {  	s5 =	simm.s32 @p1 $0x1;
	p0 =	seq.s32 s7, s2  }
0x1e: {  	s7 =	smul.u32 @!p0 $0xF7A, s2;
	p2 =	seq.s32 @!p0 s5, $0x0  }
0x1f: {  	s9 =	smul.u32 $0xF7A, s1;
	s8 =	simm.s32 @!p0 $0x1BF5;
	p2 =	por !p2, p0  }
0x20: {  	[sflag:s8] =	ssyncset.s32 @!p0 $0xFFFFF086;
	s6 =	sadd.s32 @!p0 s3, s7;
	s7 =	simm.s32 @!p0 $0x108  }
0x21: {  	s3 =	sadd.s32 s3, s9;
	s6 =	sadd.s32 @!p0 $0x88, s6;
	s7 =	simm.s32 @p2 $0x1082  }
0x22: {  	[simem:s7], [sflag:s8] =	dma.local @!p0 [hbm:s6], $0xF7A  }
0x23: {  	s9 =	sor.u32 $0xD0000000, s2;
	s6 =	simm.s32 $0x108;
	_ =	swait.ge @!p0 [sflag:s8], $0x0  }
0x24: {  	s3 =	sadd.s32 $0x88, s3;
	s6 =	simm.s32 @!p1 $0x1082;
	[sflag:s4] =	ssyncset.s32 $0xFFFFF086  }
0x25: {  	[simem:s6], [sflag:s4] =	dma.local [hbm:s3], $0xF7A  }
0x26: {  	[smem:$0x3F94] =	sst s1;
	(tag) =	ssettag s2;
	_ =	strace s9  }
0x27: {  	s1 =	sld [smem:$0x3FA4]  }
0x28: {  	s2 =	sld [smem:$0x3FA5]  }
0x29: {  	s4 =	sld [smem:$0x3FA7]  }
0x2a: {  	p0 =	seq.s32 s5, $0x0;
	s5 =	sld [smem:$0x3FA8]  }
0x2b: {  	s6 =	sld [smem:$0x3FA9]  }
0x2c: {  	s7 =	sld [smem:$0x3FAA]  }
0x2d: {  	s3 =	simm.s32 $0x108;
	s8 =	sld [smem:$0x3FAB]  }
0x2e: {  	s3 =	simm.s32 @!p0 $0x1082;
	s9 =	sld [smem:$0x3FAC]  }
0x2f: {  	lr =	sadd.s32 s0, s3;
	s0 =	sld [smem:$0x3FA3]  }
0x30: {  	s3 =	sld [smem:$0x3FA6]  }
0x31: {  	[smem:$0x3FAF] =	sst s10  }
0x32: {  	s10 =	sld [smem:$0x3FAD];
	_ =	sdelay $0x3  }
0x33: {  	p0 =	seq.s32 s10, $0x1;
	s10 =	sld [smem:$0x3FAF];
	_ =	sdelay $0x3  }
0x34: {  	[smem:$0x3FAF] =	sst s10  }
0x35: {  	s10 =	sld [smem:$0x3FAE];
	_ =	sdelay $0x3  }
0x36: {  	p1 =	seq.s32 s10, $0x1;
	s10 =	sld [smem:$0x3FAF];
	_ =	sdelay $0x3  }
0x37: {  	[smem:$0x3FAF] =	sst s10  }
0x38: {  	s10 =	sld [smem:$0x3FB0]  }
0x39: {  	_ = 	snop;
	(pc) =	sbr.ind lr, $3  }
0x3a: {  	_ = 	snop  }
0x3b: {  	_ = 	snop  }
0x3c: {  	p2 =	seq.s32 s10, $0x1;
	s10 =	sld [smem:$0x3FAF]  }
0x3d: {  	_ =	shalt  }
0x3e: {  	_ =	shalt  }
0x3f: {  	_ =	shalt  }
0x40: {  	_ =	shalt  }
0x41: {  	_ =	shalt  }
0x42: {  	_ =	shalt  }
0x43: {  	_ =	shalt  }
0x44: {  	_ =	shalt  }
0x45: {  	_ =	shalt  }
0x46: {  	_ =	shalt  }
0x47: {  	_ =	shalt  }
0x48: {  	_ =	shalt  }
0x49: {  	_ =	shalt  }
0x4a: {  	_ =	shalt  }
0x4b: {  	_ =	shalt  }
0x4c: {  	_ =	shalt  }
0x4d: {  	_ =	shalt  }
0x4e: {  	_ =	shalt  }
0x4f: {  	_ =	shalt  }
0x50: {  	_ =	shalt  }
0x51: {  	_ =	shalt  }
0x52: {  	_ =	shalt  }
0x53: {  	_ =	shalt  }
0x54: {  	_ =	shalt  }
0x55: {  	_ =	shalt  }
0x56: {  	_ =	shalt  }
0x57: {  	_ =	shalt  }
0x58: {  	_ =	shalt  }
0x59: {  	_ =	shalt  }
0x5a: {  	_ =	shalt  }
0x5b: {  	_ =	shalt  }
0x5c: {  	_ =	shalt  }
0x5d: {  	_ =	shalt  }
0x5e: {  	_ =	shalt  }
0x5f: {  	_ =	shalt  }
0x60: {  	_ =	shalt  }
0x61: {  	_ =	shalt  }
0x62: {  	_ =	shalt  }
0x63: {  	_ =	shalt  }
0x64: {  	_ =	shalt  }
0x65: {  	_ =	shalt  }
0x66: {  	_ =	shalt  }
0x67: {  	_ =	shalt  }
0x68: {  	_ =	shalt  }
0x69: {  	_ =	shalt  }
0x6a: {  	_ =	shalt  }
0x6b: {  	_ =	shalt  }
0x6c: {  	_ =	shalt  }
0x6d: {  	_ =	shalt  }
0x6e: {  	_ =	shalt  }
0x6f: {  	_ =	shalt  }
0x70: {  	_ =	shalt  }
0x71: {  	_ =	shalt  }
0x72: {  	_ =	shalt  }
0x73: {  	_ =	shalt  }
0x74: {  	_ =	shalt  }
0x75: {  	_ =	shalt  }
0x76: {  	_ =	shalt  }
0x77: {  	_ =	shalt  }
0x78: {  	_ =	shalt  }
0x79: {  	_ =	shalt  }
0x7a: {  	_ =	shalt  }
0x7b: {  	_ =	shalt  }
0x7c: {  	_ =	shalt  }
0x7d: {  	_ =	shalt  }
0x7e: {  	_ =	shalt  }
0x7f: {  	_ =	shalt  }
0x80: {  	_ =	shalt  }
0x81: {  	_ =	shalt  }
0x82: {  	_ =	shalt  }
0x83: {  	_ =	shalt  }
0x84: {  	_ =	shalt  }
0x85: {  	_ =	shalt  }
0x86: {  	_ =	shalt  }
0x87: {  	_ =	shalt  }
.Lfunc_end0:
.L_simem_size_0:
called_computation.1_lowered:
.L_overlay_start_0:
0x88: {  	s2 =	sld [smem:$0x3FD9]  }
0x89: {  	s3 =	sld [smem:$0x3FFE];
	_ =	sdelay $0x1  }
0x8a: {  	s1 =	srdreg.scid  }
0x8b: {  	s0 =	sand.u32 $0x1, s1  }
0x8c: {  	s16 =	sshll.u32 s0, $0xA;
	s2 =	sadd.s32 s3, s2  }
0x8d: {  	s2 =	sadd.s32 s2, s16  }
0x8e: {  	[smem:$0x3FBB] =	sst s2  }
0x8f: {  	_ = 	snop  }
0x90: {  	(tm) =	ssettm $0x1  }
0x91: {  	s17 =	sld [smem:$0x3FFB];
	_ =	sdelay $0x3  }
0x92: {  	_ =	strace s17  }
0x93: {  	s2 =	sld [smem:$0x3FFC];
	_ =	sdelay $0x3  }
0x94: {  	_ =	strace s2  }
0x95: {  	s2 =	sld [smem:$0x3FFD];
	_ =	sdelay $0x3  }
0x96: {  	_ =	strace s2  }
0x97: {  	_ =	strace $0x8FFFFFFF  }
0x98: {  	s18 =	sld [smem:$0x3FDB];
	_ =	sdelay $0x1  }
0x99: {  	s19 =	simm.s32 $_scs_section_size  }
0x9a: {  	s4 =	simm.s32 $_size__tile_overlayer_lowered;
	s5 =	simm.s32 $_tile_overlayer_lowered  }
0x9b: {  	s22 =	simm.s32 $0x1BFF;
	s21 =	sshll.u32 s5, $0x1;
	s2 =	sadd.s32 s19, s18  }
0x9c: {  	s6 =	simm.s32 $0x0;
	s20 =	sshll.u32 s4, $0x1;
	s4 =	sadd.s32 s21, s2  }
0x9d: {  	[timem:s6], [sflag:s22] =	dma.local [hbm:s4], s20  }
0x9e: {  	_ =	swait.ge [sflag:s22], s20  }
0x9f: {  	s3 =	ssub.s32 $0x0, s20;
	[sflag:s22] =	ssyncset.done $0x0  }
0xa0: {  	[sflag:s22] =	ssyncadd.s32 s3;
	_ =	sdelay $0x1  }
0xa1: {  	s23 =	simm.s32 $0x1B8B  }
0xa2: {  	_ =	swait.ge [sflag:s23], $0x1  }
0xa3: {  	[sflag:s23] =	ssyncset.done $0x0  }
0xa4: {  	s25 =	simm.s32 $0x1B8E;
	s24 =	sld [smem:$0x3FFE];
	[sflag:s23] =	ssyncadd.s32 $0xFFFFFFFF  }
0xa5: {  	s26 =	simm.s32 $execute0_lowered;
	[smem:$0x3FD2] =	sst s25  }
0xa6: {  	s4 =	sshll.u32 s26, $0x1;
	_ =	strace $0x80000049;
	[dreg:$0x1] =	wrdreg $0xFFFFFFFF  }
0xa7: {  	s28 =	simm.s32 $_size_execute0_lowered;
	s2 =	sadd.s32 s2, s4;
	[dreg:$0x0] =	wrdreg $0x0  }
0xa8: {  	s4 =	sshll.u32 s28, $0x1;
	[dreg:$0x2] =	wrdreg s2  }
0xa9: {  	[dreg:$0x3] =	wrdreg s4  }
0xaa: {  	[dreg:$0x4] =	wrdreg $0xC0  }
0xab: {  	_ =	task [dreg:s6], $0x5FFFF  }
0xac: {  	[dreg:$0x1] =	wrdreg $0xFFFFFFFF  }
0xad: {  	[dreg:$0x0] =	wrdreg $0x60  }
0xae: {  	[dreg:$0x2] =	wrdreg s24  }
0xaf: {  	[dreg:$0x3] =	wrdreg $0x41000  }
0xb0: {  	[dreg:$0x4] =	wrdreg $0x9  }
0xb1: {  	_ =	task.clear_ibuf [dreg:s6], $0x5FFFF;
	_ =	strace $0x90000049  }
0xb2: {  	s29 =	simm.s32 $0x9;
	_ =	strace $0x8000004B  }
0xb3: {  	_ =	swait.ge [sflag:s29], $0x1  }
0xb4: {  	[sflag:s29] =	ssyncadd.s32 $0xFFFFFFFF  }
0xb5: {  	_ =	strace $0x9000004B  }
0xb6: {  	_ =	sfence  }
0xb7: {  	s30 =	sld [smem:$0x0];
	_ =	sdelay $0x2  }
0xb8: {  	s31 =	sshll.u32 s1, $0xD;
	s1 =	sshrl.u32 s1, $0x2  }
0xb9: {  	s3 =	sand.u32 $0x4000, s31;
	s1 =	sadd.s32 s1, s30  }
0xba: {  	s0 =	sor.u32 s3, s0;
	s1 =	sshll.u32 s1, $0x11  }
0xbb: {  	s0 =	sor.u32 s1, s0  }
0xbc: {  	s0 =	sadd.s32 $0x8F2B, s0  }
0xbd: {  	[sflag:s0] =	ssyncadd.remote.s32 $0x1  }
0xbe: {  	_ =	sfence.sel $0xFFFF  }
0xbf: {  	[dreg:$0x0] =	wrdreg $0xFFFFFFFF;
	(pc) =	sbr.abs _section_cstart, $3  }
0xc0: {  	[dreg:$0x1] =	wrdreg $0xFFFFFFFF  }
0xc1: {  	_ =	task.clear_ibuf [dreg:s6], $0x2FFFF;
	_ =	strace $0x9FFFFFFF  }
0xc2: {  	(tm) =	ssettm $0x7FFFFFFF  }
0xc3: {  	_ =	shalt  }
tec
execute0_lowered:
.L_overlay_start_1:
0x0: {  	(tag) =	ssettag $0x1  }
0x1: {  	s6 =	rddreg [dreg:$0x0]  }
0x2: {  	s2 =	rddreg [dreg:$0x1]  }
0x3: {  	s0 =	rddreg [dreg:$0x2];
	s1 =	stileid.u32  }
0x4: {  	s4 =	srdreg.scid;
	s3 =	simm.s32 $0x0;
	s14 =	simm.s32 $0x100  }
0x5: {  	s15 =	simm.s32 $0x1;
	s16 =	simm.s32 $0x0;
	s5 =	smul.u32 $0xA20, s1  }
0x6: {  	s7 =	sand.u32 $0x1, s4;
	s8 =	smul.u32 $0x2780, s1;
	[smem:$0x7FF] =	sst s3  }
0x7: {  	s4 =	sadd.s32 $0x34A00, s6;
	s29 =	smul.u32 $0x4F000, s1;
	s31 =	sshll.u32 s1, $0x6  }
0x8: {  	s9 =	smul.u32 $0x27800, s7;
	_ =	strace $0x8000004A;
	s30 =	ssub.s32 $0x2, s7  }
0x9: {  	s12 =	smul.u32 $0x510, s7;
	s10 =	sadd.s32 s5, s6;
	s5 =	sadd.s32 $0x5BC00, s6  }
0xa: {  	s11 =	sshrl.u32 s30, $0x1;
	s8 =	sadd.s32 s8, s9;
	s9 =	sshrl.u32 s29, $0x2  }
0xb: {  	s11 =	ssub.s32 s30, s11;
	s10 =	sadd.s32 s12, s10;
	s12 =	simm.s32 $0x2  }
0xc: {  	s8 =	sadd.s32 s8, s6;
	s13 =	sadd.s32 s9, s2;
	s6 =	sor.u32 $0x1C02, s31  }
0xd: {  	s9 =	sadd.s32 $0x3600, s10;
	s10 =	sadd.s32 $0x5F800, s10;
	s7 =	sadd.s32 $0x69A00, s8  }
0xe: {  	s8 =	smax.u32 s11, $0x1;
	s11 =	sshrl.u32 s13, $0x3;
	s13 =	simm.s32 $0x80  }
.LBB2_1:
0xf: {  	[spmem:s11], [sflag:s6] =	dma.local [hbm:s5], $0x2780  }
0x10: {  	_ =	swait.ge [sflag:s12], $0x2780  }
0x11: {  	[sflag:s12] =	ssyncset.done $0x0  }
0x12: {  	[sflag:s12] =	ssyncadd.s32 $0xFFFFD880  }
0x13: {  	s17 =	sadd.s32 $0x0, s10;
	[bflag:$0x0] =	sbarrier.arrive $0xFFFF  }
0x14: {  	[tilespmem:s3], [sflag:$0x2] =	stream.linear.gather [hbm4b:s17+s3], $0x80, $0x38;
	[tilespmem:$0x17D00] =	vst v63  }
0x15: {  	_ =	swait.ge [sflag:s12], $0x80  }
0x16: {  	[sflag:s12] =	ssyncset.done $0x0  }
0x17: {  	s31 =	sadd.s32 $0x0, s9;
	[sflag:s12] =	ssyncadd.s32 $0xFFFFFF80  }
0x18: {  	[tilespmem:s13], [sflag:$0x2] =	stream.linear.gather [hbm4b:s31+s3], $0x80, $0x38;
	[tilespmem:$0x17D00] =	vst v63  }
0x19: {  	_ =	swait.ge [sflag:s12], $0x80  }
0x1a: {  	[sflag:s12] =	ssyncset.done $0x0  }
0x1b: {  	[sflag:s12] =	ssyncadd.s32 $0xFFFFFF80  }
0x1c: {  	[tilespmem:s14], [sflag:$0x1] =	stream.indirect.gather [hbm4b:s4+s13], $0x80, s3, s13, $0xb8;
	[tilespmem:$0x17D00] =	vst v63  }
0x1d: {  	_ =	swait.ge [sflag:s15], $0x4000  }
0x1e: {  	[sflag:s15] =	ssyncset.done $0x0  }
0x1f: {  	[sflag:s15] =	ssyncadd.s32 $0xFFFFC000  }
0x20: {  	[spmem:s2] =	stream.indirect.scatter.add.f32 [tilespmem:s14], [sflag:$0x2], $0x80, s13, s13, $0xb8;
	[tilespmem:$0x17D00] =	vst v63  }
0x21: {  	_ =	swait.ge [sflag:s12], $0x4000  }
0x22: {  	s18 =	simm.s32 $0x20;
	s17 =	simm.s32 $0x10;
	[sflag:s12] =	ssyncset.done $0x0  }
.LBB2_2:
0x23: {  	s19 =	sadd.s32 s17, s10  }
0x24: {  	[sflag:s12] =	ssyncadd.s32 $0xFFFFC000;
	s20 =	smov.u32 s18;
	s21 =	sadd.s32 $0x10, s18  }
0x25: {  	[tilespmem:s3], [sflag:$0x2] =	stream.linear.gather [hbm4b:s19+s3], $0x80, $0x38;
	[tilespmem:$0x17D00] =	vst v63  }
0x26: {  	p0 =	sne.s32 s18, $0x500;
	_ =	swait.ge [sflag:s12], $0x80  }
0x27: {  	[sflag:s12] =	ssyncset.done $0x0  }
0x28: {  	s18 =	sadd.s32 s17, s9;
	s17 =	smov.u32 s20;
	[sflag:s12] =	ssyncadd.s32 $0xFFFFFF80  }
0x29: {  	[tilespmem:s13], [sflag:$0x2] =	stream.linear.gather [hbm4b:s18+s3], $0x80, $0x38;
	[tilespmem:$0x17D00] =	vst v63  }
0x2a: {  	_ =	swait.ge [sflag:s12], $0x80  }
0x2b: {  	[sflag:s12] =	ssyncset.done $0x0  }
0x2c: {  	[sflag:s12] =	ssyncadd.s32 $0xFFFFFF80  }
0x2d: {  	[tilespmem:s14], [sflag:$0x1] =	stream.indirect.gather [hbm4b:s4+s13], $0x80, s3, s13, $0xb8;
	[tilespmem:$0x17D00] =	vst v63  }
0x2e: {  	_ =	swait.ge [sflag:s15], $0x4000  }
.Ltmp0:
0x2f: {  	[sflag:s15] =	ssyncset.done $0x0;
	(pc) =	sbr.rel @p0 .LBB2_2-.Ltmp0, $4  }
0x30: {  	[sflag:s15] =	ssyncadd.s32 $0xFFFFC000  }
0x31: {  	[spmem:s2] =	stream.indirect.scatter.add.f32 [tilespmem:s14], [sflag:$0x2], $0x80, s13, s13, $0xb8;
	[tilespmem:$0x17D00] =	vst v63  }
0x32: {  	_ =	swait.ge [sflag:s12], $0x4000  }
0x33: {  	s18 =	smov.u32 s21;
	[sflag:s12] =	ssyncset.done $0x0  }
0x34: {  	s18 =	sadd.s32 s17, s10;
	[sflag:s12] =	ssyncadd.s32 $0xFFFFC000  }
0x35: {  	[tilespmem:s3], [sflag:$0x2] =	stream.linear.gather [hbm4b:s18+s3], $0x80, $0x38;
	[tilespmem:$0x17D00] =	vst v63  }
0x36: {  	_ =	swait.ge [sflag:s12], $0x80  }
0x37: {  	[sflag:s12] =	ssyncset.done $0x0  }
0x38: {  	s31 =	sadd.s32 s17, s9;
	[sflag:s12] =	ssyncadd.s32 $0xFFFFFF80  }
0x39: {  	[tilespmem:s13], [sflag:$0x2] =	stream.linear.gather [hbm4b:s31+s3], $0x80, $0x38;
	[tilespmem:$0x17D00] =	vst v63  }
0x3a: {  	_ =	swait.ge [sflag:s12], $0x80  }
0x3b: {  	[sflag:s12] =	ssyncset.done $0x0  }
0x3c: {  	[sflag:s12] =	ssyncadd.s32 $0xFFFFFF80  }
0x3d: {  	[tilespmem:s14], [sflag:$0x1] =	stream.indirect.gather [hbm4b:s4+s13], $0x80, s3, s13, $0xb8;
	[tilespmem:$0x17D00] =	vst v63  }
0x3e: {  	_ =	swait.ge [sflag:s15], $0x4000  }
0x3f: {  	[sflag:s15] =	ssyncset.done $0x0  }
0x40: {  	[sflag:s15] =	ssyncadd.s32 $0xFFFFC000  }
0x41: {  	[spmem:s2] =	stream.indirect.scatter.add.f32 [tilespmem:s14], [sflag:$0x2], $0x80, s13, s13, $0xb8;
	[tilespmem:$0x17D00] =	vst v63  }
0x42: {  	_ =	swait.ge [sflag:s12], $0x4000  }
0x43: {  	s16 =	sadd.s32 $0x1, s16;
	[sflag:s12] =	ssyncset.done $0x0  }
0x44: {  	p0 =	sne.s32 s16, s8;
	[sflag:s12] =	ssyncadd.s32 $0xFFFFC000  }
.Ltmp1:
0x45: {  	[bflag:$0x0] =	sbarrier.arrive $0xFFFF;
	(pc) =	sbr.rel @p0 .LBB2_1-.Ltmp1, $4  }
0x46: {  	[hbm:s7], [sflag:s6] =	dma.local [spmem:s11], $0x2780  }
0x47: {  	_ =	swait.ge [sflag:s12], $0x2780  }
0x48: {  	[sflag:s12] =	ssyncset.done $0x0  }
0x49: {  	[sflag:s12] =	ssyncadd.s32 $0xFFFFD880  }
0x4a: {  	_ =	sfence.sel $0x180000  }
0x4b: {  	[bflag:$0x0] =	sbarrier.arrive $0xFFFF  }
0x4c: {  	p0 =	sne.s32 s1, $0x0;
	_ =	strace $0x9000004A  }
0x4d: {  	s0 =	sadd.s32 @!p0 $0x100000, s0;
	[bflag:$0x2] =	sbarrier.arrive $0xFFFF  }
0x4e: {  	[sflag:s0] =	ssyncadd.tile.s32 @!p0 $0x1;
	_ =	shalt  }
.Lfunc_end2:
_tile_overlayer_lowered:
.L_overlay_start_2:
0x4f: {  	(tag) =	ssettag $0x2  }
0x50: {  	s0 =	rddreg [dreg:$0x0];
	s2 =	stileid.u32  }
0x51: {  	s1 =	rddreg [dreg:$0x1];
	p0 =	sne.s32 s2, $0x0  }
0x52: {  	s3 =	rddreg [dreg:$0x2];
	[bflag:$0x3] =	sbarrier.arrive $0xFFFF;
	s2 =	simm.s32 @!p0 $0x1C02  }
0x53: {  	[timem:s3], [sflag:s2] =	dma.local @!p0 [hbm:s0], s1  }
0x54: {  	s0 =	simm.s32 @!p0 $0x2  }
0x55: {  	_ =	swait.ge @!p0 [sflag:s0], s1  }
0x56: {  	s1 =	ssub.s32 @!p0 $0x0, s1;
	[sflag:s0] =	ssyncset.done @!p0 $0x0  }
0x57: {  	[sflag:s0] =	ssyncadd.s32 @!p0 s1  }
0x58: {  	[bflag:$0x3] =	sbarrier.arrive $0xFFFF  }
0x59: {  	_ =	shalt  }

// kernel: kernel.16.cloned.1.call-start
scs
__scs_entry_jumppad:
0x0: {  	(pc) =	sbr.rel $0x88, $3  }
0x1: {  	(tag) =	ssettag $0x0;
	lr =	simm.s32 $0x1  }
0x2: {  	[smem:$0x3F94] =	sst lr;
	_ =	strace $0xD0000000  }
0x3: {  	_ = 	snop  }
0x4: {  	_ = 	snop  }
0x5: {  	_ = 	snop  }
0x6: {  	_ = 	snop  }
0x7: {  	_ = 	snop  }
__scs_overlays_trampoline_lowered:
0x8: {  	[smem:$0x3FA3] =	sst s0  }
0x9: {  	[smem:$0x3FA4] =	sst s1  }
0xa: {  	[smem:$0x3FA5] =	sst s2  }
0xb: {  	[smem:$0x3FA6] =	sst s3  }
0xc: {  	[smem:$0x3FA7] =	sst s4  }
0xd: {  	[smem:$0x3FA8] =	sst s5  }
0xe: {  	[smem:$0x3FA9] =	sst s6  }
0xf: {  	[smem:$0x3FAA] =	sst s7  }
0x10: {  	[smem:$0x3FAB] =	sst s8  }
0x11: {  	[smem:$0x3FAC] =	sst s9;
	s0 =	simm.s32 @!p0 $0x0  }
0x12: {  	s1 =	sld [smem:$0x3F92];
	s0 =	simm.s32 @p0 $0x1  }
0x13: {  	[smem:$0x3FAD] =	sst s0;
	s0 =	simm.s32 @!p1 $0x0  }
0x14: {  	s2 =	sld [smem:$0x3F91];
	s0 =	simm.s32 @p1 $0x1  }
0x15: {  	[smem:$0x3FAE] =	sst s0;
	s0 =	simm.s32 @!p2 $0x0  }
0x16: {  	s3 =	sld [smem:$0x3FDB];
	s0 =	simm.s32 @p2 $0x1  }
0x17: {  	s4 =	simm.s32 $0x1BF5;
	[smem:$0x3FB0] =	sst s0  }
0x18: {  	s0 =	sld [smem:$0x3F93];
	_ =	swait.ge [sflag:s4], $0x0  }
0x19: {  	s7 =	sld [smem:$0x3F94]  }
0x1a: {  	s8 =	sadd.s32 $0xFFFFE003, lr  }
0x1b: {  	s9 =	sadd.s32 $0xFFFFFEF7, lr;
	s5 =	simm.s32 $0xFFFFFFFF;
	p2 =	slt.u32 s8, $0xFFFFF086  }
0x1c: {  	p1 =	slt.u32 s9, $0xF7A;
	s5 =	simm.s32 @!p2 $0x0  }
0x1d: {  	s5 =	simm.s32 @p1 $0x1;
	p0 =	seq.s32 s7, s2  }
0x1e: {  	s7 =	smul.u32 @!p0 $0xF7A, s2;
	p2 =	seq.s32 @!p0 s5, $0x0  }
0x1f: {  	s9 =	smul.u32 $0xF7A, s1;
	s8 =	simm.s32 @!p0 $0x1BF5;
	p2 =	por !p2, p0  }
0x20: {  	[sflag:s8] =	ssyncset.s32 @!p0 $0xFFFFF086;
	s6 =	sadd.s32 @!p0 s3, s7;
	s7 =	simm.s32 @!p0 $0x108  }
0x21: {  	s3 =	sadd.s32 s3, s9;
	s6 =	sadd.s32 @!p0 $0x88, s6;
	s7 =	simm.s32 @p2 $0x1082  }
0x22: {  	[simem:s7], [sflag:s8] =	dma.local @!p0 [hbm:s6], $0xF7A  }
0x23: {  	s9 =	sor.u32 $0xD0000000, s2;
	s6 =	simm.s32 $0x108;
	_ =	swait.ge @!p0 [sflag:s8], $0x0  }
0x24: {  	s3 =	sadd.s32 $0x88, s3;
	s6 =	simm.s32 @!p1 $0x1082;
	[sflag:s4] =	ssyncset.s32 $0xFFFFF086  }
0x25: {  	[simem:s6], [sflag:s4] =	dma.local [hbm:s3], $0xF7A  }
0x26: {  	[smem:$0x3F94] =	sst s1;
	(tag) =	ssettag s2;
	_ =	strace s9  }
0x27: {  	s1 =	sld [smem:$0x3FA4]  }
0x28: {  	s2 =	sld [smem:$0x3FA5]  }
0x29: {  	s4 =	sld [smem:$0x3FA7]  }
0x2a: {  	p0 =	seq.s32 s5, $0x0;
	s5 =	sld [smem:$0x3FA8]  }
0x2b: {  	s6 =	sld [smem:$0x3FA9]  }
0x2c: {  	s7 =	sld [smem:$0x3FAA]  }
0x2d: {  	s3 =	simm.s32 $0x108;
	s8 =	sld [smem:$0x3FAB]  }
0x2e: {  	s3 =	simm.s32 @!p0 $0x1082;
	s9 =	sld [smem:$0x3FAC]  }
0x2f: {  	lr =	sadd.s32 s0, s3;
	s0 =	sld [smem:$0x3FA3]  }
0x30: {  	s3 =	sld [smem:$0x3FA6]  }
0x31: {  	[smem:$0x3FAF] =	sst s10  }
0x32: {  	s10 =	sld [smem:$0x3FAD];
	_ =	sdelay $0x3  }
0x33: {  	p0 =	seq.s32 s10, $0x1;
	s10 =	sld [smem:$0x3FAF];
	_ =	sdelay $0x3  }
0x34: {  	[smem:$0x3FAF] =	sst s10  }
0x35: {  	s10 =	sld [smem:$0x3FAE];
	_ =	sdelay $0x3  }
0x36: {  	p1 =	seq.s32 s10, $0x1;
	s10 =	sld [smem:$0x3FAF];
	_ =	sdelay $0x3  }
0x37: {  	[smem:$0x3FAF] =	sst s10  }
0x38: {  	s10 =	sld [smem:$0x3FB0]  }
0x39: {  	_ = 	snop;
	(pc) =	sbr.ind lr, $3  }
0x3a: {  	_ = 	snop  }
0x3b: {  	_ = 	snop  }
0x3c: {  	p2 =	seq.s32 s10, $0x1;
	s10 =	sld [smem:$0x3FAF]  }
0x3d: {  	_ =	shalt  }
0x3e: {  	_ =	shalt  }
0x3f: {  	_ =	shalt  }
0x40: {  	_ =	shalt  }
0x41: {  	_ =	shalt  }
0x42: {  	_ =	shalt  }
0x43: {  	_ =	shalt  }
0x44: {  	_ =	shalt  }
0x45: {  	_ =	shalt  }
0x46: {  	_ =	shalt  }
0x47: {  	_ =	shalt  }
0x48: {  	_ =	shalt  }
0x49: {  	_ =	shalt  }
0x4a: {  	_ =	shalt  }
0x4b: {  	_ =	shalt  }
0x4c: {  	_ =	shalt  }
0x4d: {  	_ =	shalt  }
0x4e: {  	_ =	shalt  }
0x4f: {  	_ =	shalt  }
0x50: {  	_ =	shalt  }
0x51: {  	_ =	shalt  }
0x52: {  	_ =	shalt  }
0x53: {  	_ =	shalt  }
0x54: {  	_ =	shalt  }
0x55: {  	_ =	shalt  }
0x56: {  	_ =	shalt  }
0x57: {  	_ =	shalt  }
0x58: {  	_ =	shalt  }
0x59: {  	_ =	shalt  }
0x5a: {  	_ =	shalt  }
0x5b: {  	_ =	shalt  }
0x5c: {  	_ =	shalt  }
0x5d: {  	_ =	shalt  }
0x5e: {  	_ =	shalt  }
0x5f: {  	_ =	shalt  }
0x60: {  	_ =	shalt  }
0x61: {  	_ =	shalt  }
0x62: {  	_ =	shalt  }
0x63: {  	_ =	shalt  }
0x64: {  	_ =	shalt  }
0x65: {  	_ =	shalt  }
0x66: {  	_ =	shalt  }
0x67: {  	_ =	shalt  }
0x68: {  	_ =	shalt  }
0x69: {  	_ =	shalt  }
0x6a: {  	_ =	shalt  }
0x6b: {  	_ =	shalt  }
0x6c: {  	_ =	shalt  }
0x6d: {  	_ =	shalt  }
0x6e: {  	_ =	shalt  }
0x6f: {  	_ =	shalt  }
0x70: {  	_ =	shalt  }
0x71: {  	_ =	shalt  }
0x72: {  	_ =	shalt  }
0x73: {  	_ =	shalt  }
0x74: {  	_ =	shalt  }
0x75: {  	_ =	shalt  }
0x76: {  	_ =	shalt  }
0x77: {  	_ =	shalt  }
0x78: {  	_ =	shalt  }
0x79: {  	_ =	shalt  }
0x7a: {  	_ =	shalt  }
0x7b: {  	_ =	shalt  }
0x7c: {  	_ =	shalt  }
0x7d: {  	_ =	shalt  }
0x7e: {  	_ =	shalt  }
0x7f: {  	_ =	shalt  }
0x80: {  	_ =	shalt  }
0x81: {  	_ =	shalt  }
0x82: {  	_ =	shalt  }
0x83: {  	_ =	shalt  }
0x84: {  	_ =	shalt  }
0x85: {  	_ =	shalt  }
0x86: {  	_ =	shalt  }
0x87: {  	_ =	shalt  }
.Lfunc_end0:
.L_simem_size_0:
called_computation.2_lowered:
.L_overlay_start_0:
0x88: {  	s2 =	sld [smem:$0x3FD9]  }
0x89: {  	s3 =	sld [smem:$0x3FFE];
	_ =	sdelay $0x1  }
0x8a: {  	s1 =	srdreg.scid  }
0x8b: {  	s0 =	sand.u32 $0x1, s1  }
0x8c: {  	s16 =	sshll.u32 s0, $0xA;
	s2 =	sadd.s32 s3, s2  }
0x8d: {  	s2 =	sadd.s32 s2, s16  }
0x8e: {  	[smem:$0x3FBB] =	sst s2  }
0x8f: {  	_ = 	snop  }
0x90: {  	(tm) =	ssettm $0x1  }
0x91: {  	s17 =	sld [smem:$0x3FFB];
	_ =	sdelay $0x3  }
0x92: {  	_ =	strace s17  }
0x93: {  	s2 =	sld [smem:$0x3FFC];
	_ =	sdelay $0x3  }
0x94: {  	_ =	strace s2  }
0x95: {  	s2 =	sld [smem:$0x3FFD];
	_ =	sdelay $0x3  }
0x96: {  	_ =	strace s2  }
0x97: {  	_ =	strace $0x8FFFFFFF  }
0x98: {  	s18 =	sld [smem:$0x3FDB];
	_ =	sdelay $0x1  }
0x99: {  	s19 =	simm.s32 $_scs_section_size  }
0x9a: {  	s4 =	simm.s32 $_size__tile_overlayer_lowered;
	s5 =	simm.s32 $_tile_overlayer_lowered  }
0x9b: {  	s22 =	simm.s32 $0x1BFF;
	s21 =	sshll.u32 s5, $0x1;
	s2 =	sadd.s32 s19, s18  }
0x9c: {  	s6 =	simm.s32 $0x0;
	s20 =	sshll.u32 s4, $0x1;
	s4 =	sadd.s32 s21, s2  }
0x9d: {  	[timem:s6], [sflag:s22] =	dma.local [hbm:s4], s20  }
0x9e: {  	_ =	swait.ge [sflag:s22], s20  }
0x9f: {  	s3 =	ssub.s32 $0x0, s20;
	[sflag:s22] =	ssyncset.done $0x0  }
0xa0: {  	[sflag:s22] =	ssyncadd.s32 s3;
	_ =	sdelay $0x1  }
0xa1: {  	s23 =	simm.s32 $0x1B8B  }
0xa2: {  	_ =	swait.ge [sflag:s23], $0x1  }
0xa3: {  	[sflag:s23] =	ssyncset.done $0x0  }
0xa4: {  	s25 =	simm.s32 $0x1B8E;
	s24 =	sld [smem:$0x3FFE];
	[sflag:s23] =	ssyncadd.s32 $0xFFFFFFFF  }
0xa5: {  	s26 =	simm.s32 $execute0_lowered;
	[smem:$0x3FD2] =	sst s25  }
0xa6: {  	s4 =	sshll.u32 s26, $0x1;
	_ =	strace $0x8000004C;
	[dreg:$0x1] =	wrdreg $0xFFFFFFFF  }
0xa7: {  	s28 =	simm.s32 $_size_execute0_lowered;
	s2 =	sadd.s32 s2, s4;
	[dreg:$0x0] =	wrdreg $0x0  }
0xa8: {  	s4 =	sshll.u32 s28, $0x1;
	[dreg:$0x2] =	wrdreg s2  }
0xa9: {  	[dreg:$0x3] =	wrdreg s4  }
0xaa: {  	[dreg:$0x4] =	wrdreg $0xC0  }
0xab: {  	_ =	task [dreg:s6], $0x5FFFF  }
0xac: {  	[dreg:$0x1] =	wrdreg $0xFFFFFFFF  }
0xad: {  	[dreg:$0x0] =	wrdreg $0x60  }
0xae: {  	[dreg:$0x2] =	wrdreg s24  }
0xaf: {  	[dreg:$0x3] =	wrdreg $0x41000  }
0xb0: {  	[dreg:$0x4] =	wrdreg $0x9  }
0xb1: {  	_ =	task.clear_ibuf [dreg:s6], $0x5FFFF;
	_ =	strace $0x9000004C  }
0xb2: {  	s29 =	simm.s32 $0x9;
	_ =	strace $0x8000004E  }
0xb3: {  	_ =	swait.ge [sflag:s29], $0x1  }
0xb4: {  	[sflag:s29] =	ssyncadd.s32 $0xFFFFFFFF  }
0xb5: {  	_ =	strace $0x9000004E  }
0xb6: {  	_ =	sfence  }
0xb7: {  	s30 =	sld [smem:$0x0];
	_ =	sdelay $0x2  }
0xb8: {  	s31 =	sshll.u32 s1, $0xD;
	s1 =	sshrl.u32 s1, $0x2  }
0xb9: {  	s3 =	sand.u32 $0x4000, s31;
	s1 =	sadd.s32 s1, s30  }
0xba: {  	s0 =	sor.u32 s3, s0;
	s1 =	sshll.u32 s1, $0x11  }
0xbb: {  	s0 =	sor.u32 s1, s0  }
0xbc: {  	s0 =	sadd.s32 $0x8F2B, s0  }
0xbd: {  	[sflag:s0] =	ssyncadd.remote.s32 $0x1  }
0xbe: {  	_ =	sfence.sel $0xFFFF  }
0xbf: {  	[dreg:$0x0] =	wrdreg $0xFFFFFFFF;
	(pc) =	sbr.abs _section_cstart, $3  }
0xc0: {  	[dreg:$0x1] =	wrdreg $0xFFFFFFFF  }
0xc1: {  	_ =	task.clear_ibuf [dreg:s6], $0x2FFFF;
	_ =	strace $0x9FFFFFFF  }
0xc2: {  	(tm) =	ssettm $0x7FFFFFFF  }
0xc3: {  	_ =	shalt  }
tec
execute0_lowered:
.L_overlay_start_1:
0x0: {  	(tag) =	ssettag $0x1  }
0x1: {  	s6 =	rddreg [dreg:$0x0]  }
0x2: {  	s2 =	rddreg [dreg:$0x1]  }
0x3: {  	s0 =	rddreg [dreg:$0x2];
	s1 =	stileid.u32  }
0x4: {  	s4 =	srdreg.scid;
	s3 =	simm.s32 $0x0;
	s14 =	simm.s32 $0x100  }
0x5: {  	s15 =	simm.s32 $0x1;
	s16 =	simm.s32 $0x0;
	s5 =	smul.u32 $0xA20, s1  }
0x6: {  	s7 =	sand.u32 $0x1, s4;
	s8 =	smul.u32 $0x2780, s1;
	[smem:$0x7FF] =	sst s3  }
0x7: {  	s4 =	sadd.s32 $0x34A00, s6;
	s29 =	smul.u32 $0x4F000, s1;
	s31 =	sshll.u32 s1, $0x6  }
0x8: {  	s9 =	smul.u32 $0x27800, s7;
	_ =	strace $0x8000004D;
	s30 =	ssub.s32 $0x2, s7  }
0x9: {  	s12 =	smul.u32 $0x510, s7;
	s10 =	sadd.s32 s5, s6;
	s5 =	sadd.s32 $0x5BC00, s6  }
0xa: {  	s11 =	sshrl.u32 s30, $0x1;
	s8 =	sadd.s32 s8, s9;
	s9 =	sshrl.u32 s29, $0x2  }
0xb: {  	s11 =	ssub.s32 s30, s11;
	s10 =	sadd.s32 s12, s10;
	s12 =	simm.s32 $0x2  }
0xc: {  	s8 =	sadd.s32 s8, s6;
	s13 =	sadd.s32 s9, s2;
	s6 =	sor.u32 $0x1C02, s31  }
0xd: {  	s9 =	sadd.s32 $0x3600, s10;
	s10 =	sadd.s32 $0x5F800, s10;
	s7 =	sadd.s32 $0x69A00, s8  }
0xe: {  	s8 =	smax.u32 s11, $0x1;
	s11 =	sshrl.u32 s13, $0x3;
	s13 =	simm.s32 $0x80  }
.LBB2_1:
0xf: {  	[spmem:s11], [sflag:s6] =	dma.local [hbm:s5], $0x2780  }
0x10: {  	_ =	swait.ge [sflag:s12], $0x2780  }
0x11: {  	[sflag:s12] =	ssyncset.done $0x0  }
0x12: {  	[sflag:s12] =	ssyncadd.s32 $0xFFFFD880  }
0x13: {  	s17 =	sadd.s32 $0x0, s10;
	[bflag:$0x0] =	sbarrier.arrive $0xFFFF  }
0x14: {  	[tilespmem:s3], [sflag:$0x2] =	stream.linear.gather [hbm4b:s17+s3], $0x80, $0x38;
	[tilespmem:$0x17D00] =	vst v63  }
0x15: {  	_ =	swait.ge [sflag:s12], $0x80  }
0x16: {  	[sflag:s12] =	ssyncset.done $0x0  }
0x17: {  	s31 =	sadd.s32 $0x0, s9;
	[sflag:s12] =	ssyncadd.s32 $0xFFFFFF80  }
0x18: {  	[tilespmem:s13], [sflag:$0x2] =	stream.linear.gather [hbm4b:s31+s3], $0x80, $0x38;
	[tilespmem:$0x17D00] =	vst v63  }
0x19: {  	_ =	swait.ge [sflag:s12], $0x80  }
0x1a: {  	[sflag:s12] =	ssyncset.done $0x0  }
0x1b: {  	[sflag:s12] =	ssyncadd.s32 $0xFFFFFF80  }
0x1c: {  	[tilespmem:s14], [sflag:$0x1] =	stream.indirect.gather [hbm4b:s4+s13], $0x80, s3, s13, $0xb8;
	[tilespmem:$0x17D00] =	vst v63  }
0x1d: {  	_ =	swait.ge [sflag:s15], $0x4000  }
0x1e: {  	[sflag:s15] =	ssyncset.done $0x0  }
0x1f: {  	[sflag:s15] =	ssyncadd.s32 $0xFFFFC000  }
0x20: {  	[spmem:s2] =	stream.indirect.scatter.add.f32 [tilespmem:s14], [sflag:$0x2], $0x80, s13, s13, $0xb8;
	[tilespmem:$0x17D00] =	vst v63  }
0x21: {  	_ =	swait.ge [sflag:s12], $0x4000  }
0x22: {  	s18 =	simm.s32 $0x20;
	s17 =	simm.s32 $0x10;
	[sflag:s12] =	ssyncset.done $0x0  }
.LBB2_2:
0x23: {  	s19 =	sadd.s32 s17, s10  }
0x24: {  	[sflag:s12] =	ssyncadd.s32 $0xFFFFC000;
	s20 =	smov.u32 s18;
	s21 =	sadd.s32 $0x10, s18  }
0x25: {  	[tilespmem:s3], [sflag:$0x2] =	stream.linear.gather [hbm4b:s19+s3], $0x80, $0x38;
	[tilespmem:$0x17D00] =	vst v63  }
0x26: {  	p0 =	sne.s32 s18, $0x500;
	_ =	swait.ge [sflag:s12], $0x80  }
0x27: {  	[sflag:s12] =	ssyncset.done $0x0  }
0x28: {  	s18 =	sadd.s32 s17, s9;
	s17 =	smov.u32 s20;
	[sflag:s12] =	ssyncadd.s32 $0xFFFFFF80  }
0x29: {  	[tilespmem:s13], [sflag:$0x2] =	stream.linear.gather [hbm4b:s18+s3], $0x80, $0x38;
	[tilespmem:$0x17D00] =	vst v63  }
0x2a: {  	_ =	swait.ge [sflag:s12], $0x80  }
0x2b: {  	[sflag:s12] =	ssyncset.done $0x0  }
0x2c: {  	[sflag:s12] =	ssyncadd.s32 $0xFFFFFF80  }
0x2d: {  	[tilespmem:s14], [sflag:$0x1] =	stream.indirect.gather [hbm4b:s4+s13], $0x80, s3, s13, $0xb8;
	[tilespmem:$0x17D00] =	vst v63  }
0x2e: {  	_ =	swait.ge [sflag:s15], $0x4000  }
.Ltmp0:
0x2f: {  	[sflag:s15] =	ssyncset.done $0x0;
	(pc) =	sbr.rel @p0 .LBB2_2-.Ltmp0, $4  }
0x30: {  	[sflag:s15] =	ssyncadd.s32 $0xFFFFC000  }
0x31: {  	[spmem:s2] =	stream.indirect.scatter.add.f32 [tilespmem:s14], [sflag:$0x2], $0x80, s13, s13, $0xb8;
	[tilespmem:$0x17D00] =	vst v63  }
0x32: {  	_ =	swait.ge [sflag:s12], $0x4000  }
0x33: {  	s18 =	smov.u32 s21;
	[sflag:s12] =	ssyncset.done $0x0  }
0x34: {  	s18 =	sadd.s32 s17, s10;
	[sflag:s12] =	ssyncadd.s32 $0xFFFFC000  }
0x35: {  	[tilespmem:s3], [sflag:$0x2] =	stream.linear.gather [hbm4b:s18+s3], $0x80, $0x38;
	[tilespmem:$0x17D00] =	vst v63  }
0x36: {  	_ =	swait.ge [sflag:s12], $0x80  }
0x37: {  	[sflag:s12] =	ssyncset.done $0x0  }
0x38: {  	s31 =	sadd.s32 s17, s9;
	[sflag:s12] =	ssyncadd.s32 $0xFFFFFF80  }
0x39: {  	[tilespmem:s13], [sflag:$0x2] =	stream.linear.gather [hbm4b:s31+s3], $0x80, $0x38;
	[tilespmem:$0x17D00] =	vst v63  }
0x3a: {  	_ =	swait.ge [sflag:s12], $0x80  }
0x3b: {  	[sflag:s12] =	ssyncset.done $0x0  }
0x3c: {  	[sflag:s12] =	ssyncadd.s32 $0xFFFFFF80  }
0x3d: {  	[tilespmem:s14], [sflag:$0x1] =	stream.indirect.gather [hbm4b:s4+s13], $0x80, s3, s13, $0xb8;
	[tilespmem:$0x17D00] =	vst v63  }
0x3e: {  	_ =	swait.ge [sflag:s15], $0x4000  }
0x3f: {  	[sflag:s15] =	ssyncset.done $0x0  }
0x40: {  	[sflag:s15] =	ssyncadd.s32 $0xFFFFC000  }
0x41: {  	[spmem:s2] =	stream.indirect.scatter.add.f32 [tilespmem:s14], [sflag:$0x2], $0x80, s13, s13, $0xb8;
	[tilespmem:$0x17D00] =	vst v63  }
0x42: {  	_ =	swait.ge [sflag:s12], $0x4000  }
0x43: {  	s16 =	sadd.s32 $0x1, s16;
	[sflag:s12] =	ssyncset.done $0x0  }
0x44: {  	p0 =	sne.s32 s16, s8;
	[sflag:s12] =	ssyncadd.s32 $0xFFFFC000  }
.Ltmp1:
0x45: {  	[bflag:$0x0] =	sbarrier.arrive $0xFFFF;
	(pc) =	sbr.rel @p0 .LBB2_1-.Ltmp1, $4  }
0x46: {  	[hbm:s7], [sflag:s6] =	dma.local [spmem:s11], $0x2780  }
0x47: {  	_ =	swait.ge [sflag:s12], $0x2780  }
0x48: {  	[sflag:s12] =	ssyncset.done $0x0  }
0x49: {  	[sflag:s12] =	ssyncadd.s32 $0xFFFFD880  }
0x4a: {  	_ =	sfence.sel $0x180000  }
0x4b: {  	[bflag:$0x0] =	sbarrier.arrive $0xFFFF  }
0x4c: {  	p0 =	sne.s32 s1, $0x0;
	_ =	strace $0x9000004D  }
0x4d: {  	s0 =	sadd.s32 @!p0 $0x100000, s0;
	[bflag:$0x2] =	sbarrier.arrive $0xFFFF  }
0x4e: {  	[sflag:s0] =	ssyncadd.tile.s32 @!p0 $0x1;
	_ =	shalt  }
.Lfunc_end2:
_tile_overlayer_lowered:
.L_overlay_start_2:
0x4f: {  	(tag) =	ssettag $0x2  }
0x50: {  	s0 =	rddreg [dreg:$0x0];
	s2 =	stileid.u32  }
0x51: {  	s1 =	rddreg [dreg:$0x1];
	p0 =	sne.s32 s2, $0x0  }
0x52: {  	s3 =	rddreg [dreg:$0x2];
	[bflag:$0x3] =	sbarrier.arrive $0xFFFF;
	s2 =	simm.s32 @!p0 $0x1C02  }
0x53: {  	[timem:s3], [sflag:s2] =	dma.local @!p0 [hbm:s0], s1  }
0x54: {  	s0 =	simm.s32 @!p0 $0x2  }
0x55: {  	_ =	swait.ge @!p0 [sflag:s0], s1  }
0x56: {  	s1 =	ssub.s32 @!p0 $0x0, s1;
	[sflag:s0] =	ssyncset.done @!p0 $0x0  }
0x57: {  	[sflag:s0] =	ssyncadd.s32 @!p0 s1  }
0x58: {  	[bflag:$0x3] =	sbarrier.arrive $0xFFFF  }
0x59: {  	_ =	shalt  }

// kernel: kernel.19.cloned.1.call-start
scs
__scs_entry_jumppad:
0x0: {  	(pc) =	sbr.rel $0x88, $3  }
0x1: {  	(tag) =	ssettag $0x0;
	lr =	simm.s32 $0x1  }
0x2: {  	[smem:$0x3F94] =	sst lr;
	_ =	strace $0xD0000000  }
0x3: {  	_ = 	snop  }
0x4: {  	_ = 	snop  }
0x5: {  	_ = 	snop  }
0x6: {  	_ = 	snop  }
0x7: {  	_ = 	snop  }
__scs_overlays_trampoline_lowered:
0x8: {  	[smem:$0x3FA3] =	sst s0  }
0x9: {  	[smem:$0x3FA4] =	sst s1  }
0xa: {  	[smem:$0x3FA5] =	sst s2  }
0xb: {  	[smem:$0x3FA6] =	sst s3  }
0xc: {  	[smem:$0x3FA7] =	sst s4  }
0xd: {  	[smem:$0x3FA8] =	sst s5  }
0xe: {  	[smem:$0x3FA9] =	sst s6  }
0xf: {  	[smem:$0x3FAA] =	sst s7  }
0x10: {  	[smem:$0x3FAB] =	sst s8  }
0x11: {  	[smem:$0x3FAC] =	sst s9;
	s0 =	simm.s32 @!p0 $0x0  }
0x12: {  	s1 =	sld [smem:$0x3F92];
	s0 =	simm.s32 @p0 $0x1  }
0x13: {  	[smem:$0x3FAD] =	sst s0;
	s0 =	simm.s32 @!p1 $0x0  }
0x14: {  	s2 =	sld [smem:$0x3F91];
	s0 =	simm.s32 @p1 $0x1  }
0x15: {  	[smem:$0x3FAE] =	sst s0;
	s0 =	simm.s32 @!p2 $0x0  }
0x16: {  	s3 =	sld [smem:$0x3FDB];
	s0 =	simm.s32 @p2 $0x1  }
0x17: {  	s4 =	simm.s32 $0x1BF5;
	[smem:$0x3FB0] =	sst s0  }
0x18: {  	s0 =	sld [smem:$0x3F93];
	_ =	swait.ge [sflag:s4], $0x0  }
0x19: {  	s7 =	sld [smem:$0x3F94]  }
0x1a: {  	s8 =	sadd.s32 $0xFFFFE003, lr  }
0x1b: {  	s9 =	sadd.s32 $0xFFFFFEF7, lr;
	s5 =	simm.s32 $0xFFFFFFFF;
	p2 =	slt.u32 s8, $0xFFFFF086  }
0x1c: {  	p1 =	slt.u32 s9, $0xF7A;
	s5 =	simm.s32 @!p2 $0x0  }
0x1d: {  	s5 =	simm.s32 @p1 $0x1;
	p0 =	seq.s32 s7, s2  }
0x1e: {  	s7 =	smul.u32 @!p0 $0xF7A, s2;
	p2 =	seq.s32 @!p0 s5, $0x0  }
0x1f: {  	s9 =	smul.u32 $0xF7A, s1;
	s8 =	simm.s32 @!p0 $0x1BF5;
	p2 =	por !p2, p0  }
0x20: {  	[sflag:s8] =	ssyncset.s32 @!p0 $0xFFFFF086;
	s6 =	sadd.s32 @!p0 s3, s7;
	s7 =	simm.s32 @!p0 $0x108  }
0x21: {  	s3 =	sadd.s32 s3, s9;
	s6 =	sadd.s32 @!p0 $0x88, s6;
	s7 =	simm.s32 @p2 $0x1082  }
0x22: {  	[simem:s7], [sflag:s8] =	dma.local @!p0 [hbm:s6], $0xF7A  }
0x23: {  	s9 =	sor.u32 $0xD0000000, s2;
	s6 =	simm.s32 $0x108;
	_ =	swait.ge @!p0 [sflag:s8], $0x0  }
0x24: {  	s3 =	sadd.s32 $0x88, s3;
	s6 =	simm.s32 @!p1 $0x1082;
	[sflag:s4] =	ssyncset.s32 $0xFFFFF086  }
0x25: {  	[simem:s6], [sflag:s4] =	dma.local [hbm:s3], $0xF7A  }
0x26: {  	[smem:$0x3F94] =	sst s1;
	(tag) =	ssettag s2;
	_ =	strace s9  }
0x27: {  	s1 =	sld [smem:$0x3FA4]  }
0x28: {  	s2 =	sld [smem:$0x3FA5]  }
0x29: {  	s4 =	sld [smem:$0x3FA7]  }
0x2a: {  	p0 =	seq.s32 s5, $0x0;
	s5 =	sld [smem:$0x3FA8]  }
0x2b: {  	s6 =	sld [smem:$0x3FA9]  }
0x2c: {  	s7 =	sld [smem:$0x3FAA]  }
0x2d: {  	s3 =	simm.s32 $0x108;
	s8 =	sld [smem:$0x3FAB]  }
0x2e: {  	s3 =	simm.s32 @!p0 $0x1082;
	s9 =	sld [smem:$0x3FAC]  }
0x2f: {  	lr =	sadd.s32 s0, s3;
	s0 =	sld [smem:$0x3FA3]  }
0x30: {  	s3 =	sld [smem:$0x3FA6]  }
0x31: {  	[smem:$0x3FAF] =	sst s10  }
0x32: {  	s10 =	sld [smem:$0x3FAD];
	_ =	sdelay $0x3  }
0x33: {  	p0 =	seq.s32 s10, $0x1;
	s10 =	sld [smem:$0x3FAF];
	_ =	sdelay $0x3  }
0x34: {  	[smem:$0x3FAF] =	sst s10  }
0x35: {  	s10 =	sld [smem:$0x3FAE];
	_ =	sdelay $0x3  }
0x36: {  	p1 =	seq.s32 s10, $0x1;
	s10 =	sld [smem:$0x3FAF];
	_ =	sdelay $0x3  }
0x37: {  	[smem:$0x3FAF] =	sst s10  }
0x38: {  	s10 =	sld [smem:$0x3FB0]  }
0x39: {  	_ = 	snop;
	(pc) =	sbr.ind lr, $3  }
0x3a: {  	_ = 	snop  }
0x3b: {  	_ = 	snop  }
0x3c: {  	p2 =	seq.s32 s10, $0x1;
	s10 =	sld [smem:$0x3FAF]  }
0x3d: {  	_ =	shalt  }
0x3e: {  	_ =	shalt  }
0x3f: {  	_ =	shalt  }
0x40: {  	_ =	shalt  }
0x41: {  	_ =	shalt  }
0x42: {  	_ =	shalt  }
0x43: {  	_ =	shalt  }
0x44: {  	_ =	shalt  }
0x45: {  	_ =	shalt  }
0x46: {  	_ =	shalt  }
0x47: {  	_ =	shalt  }
0x48: {  	_ =	shalt  }
0x49: {  	_ =	shalt  }
0x4a: {  	_ =	shalt  }
0x4b: {  	_ =	shalt  }
0x4c: {  	_ =	shalt  }
0x4d: {  	_ =	shalt  }
0x4e: {  	_ =	shalt  }
0x4f: {  	_ =	shalt  }
0x50: {  	_ =	shalt  }
0x51: {  	_ =	shalt  }
0x52: {  	_ =	shalt  }
0x53: {  	_ =	shalt  }
0x54: {  	_ =	shalt  }
0x55: {  	_ =	shalt  }
0x56: {  	_ =	shalt  }
0x57: {  	_ =	shalt  }
0x58: {  	_ =	shalt  }
0x59: {  	_ =	shalt  }
0x5a: {  	_ =	shalt  }
0x5b: {  	_ =	shalt  }
0x5c: {  	_ =	shalt  }
0x5d: {  	_ =	shalt  }
0x5e: {  	_ =	shalt  }
0x5f: {  	_ =	shalt  }
0x60: {  	_ =	shalt  }
0x61: {  	_ =	shalt  }
0x62: {  	_ =	shalt  }
0x63: {  	_ =	shalt  }
0x64: {  	_ =	shalt  }
0x65: {  	_ =	shalt  }
0x66: {  	_ =	shalt  }
0x67: {  	_ =	shalt  }
0x68: {  	_ =	shalt  }
0x69: {  	_ =	shalt  }
0x6a: {  	_ =	shalt  }
0x6b: {  	_ =	shalt  }
0x6c: {  	_ =	shalt  }
0x6d: {  	_ =	shalt  }
0x6e: {  	_ =	shalt  }
0x6f: {  	_ =	shalt  }
0x70: {  	_ =	shalt  }
0x71: {  	_ =	shalt  }
0x72: {  	_ =	shalt  }
0x73: {  	_ =	shalt  }
0x74: {  	_ =	shalt  }
0x75: {  	_ =	shalt  }
0x76: {  	_ =	shalt  }
0x77: {  	_ =	shalt  }
0x78: {  	_ =	shalt  }
0x79: {  	_ =	shalt  }
0x7a: {  	_ =	shalt  }
0x7b: {  	_ =	shalt  }
0x7c: {  	_ =	shalt  }
0x7d: {  	_ =	shalt  }
0x7e: {  	_ =	shalt  }
0x7f: {  	_ =	shalt  }
0x80: {  	_ =	shalt  }
0x81: {  	_ =	shalt  }
0x82: {  	_ =	shalt  }
0x83: {  	_ =	shalt  }
0x84: {  	_ =	shalt  }
0x85: {  	_ =	shalt  }
0x86: {  	_ =	shalt  }
0x87: {  	_ =	shalt  }
.Lfunc_end0:
.L_simem_size_0:
called_computation.3_lowered:
.L_overlay_start_0:
0x88: {  	s2 =	sld [smem:$0x3FD9]  }
0x89: {  	s3 =	sld [smem:$0x3FFE];
	_ =	sdelay $0x1  }
0x8a: {  	s1 =	srdreg.scid  }
0x8b: {  	s0 =	sand.u32 $0x1, s1  }
0x8c: {  	s16 =	sshll.u32 s0, $0xA;
	s2 =	sadd.s32 s3, s2  }
0x8d: {  	s2 =	sadd.s32 s2, s16  }
0x8e: {  	[smem:$0x3FBB] =	sst s2  }
0x8f: {  	_ = 	snop  }
0x90: {  	(tm) =	ssettm $0x1  }
0x91: {  	s17 =	sld [smem:$0x3FFB];
	_ =	sdelay $0x3  }
0x92: {  	_ =	strace s17  }
0x93: {  	s2 =	sld [smem:$0x3FFC];
	_ =	sdelay $0x3  }
0x94: {  	_ =	strace s2  }
0x95: {  	s2 =	sld [smem:$0x3FFD];
	_ =	sdelay $0x3  }
0x96: {  	_ =	strace s2  }
0x97: {  	_ =	strace $0x8FFFFFFF  }
0x98: {  	s18 =	sld [smem:$0x3FDB];
	_ =	sdelay $0x1  }
0x99: {  	s19 =	simm.s32 $_scs_section_size  }
0x9a: {  	s4 =	simm.s32 $_size__tile_overlayer_lowered;
	s5 =	simm.s32 $_tile_overlayer_lowered  }
0x9b: {  	s22 =	simm.s32 $0x1BFF;
	s21 =	sshll.u32 s5, $0x1;
	s2 =	sadd.s32 s19, s18  }
0x9c: {  	s6 =	simm.s32 $0x0;
	s20 =	sshll.u32 s4, $0x1;
	s4 =	sadd.s32 s21, s2  }
0x9d: {  	[timem:s6], [sflag:s22] =	dma.local [hbm:s4], s20  }
0x9e: {  	_ =	swait.ge [sflag:s22], s20  }
0x9f: {  	s3 =	ssub.s32 $0x0, s20;
	[sflag:s22] =	ssyncset.done $0x0  }
0xa0: {  	[sflag:s22] =	ssyncadd.s32 s3;
	_ =	sdelay $0x1  }
0xa1: {  	s23 =	simm.s32 $0x1B8B  }
0xa2: {  	_ =	swait.ge [sflag:s23], $0x1  }
0xa3: {  	[sflag:s23] =	ssyncset.done $0x0  }
0xa4: {  	s25 =	simm.s32 $0x1B8E;
	s24 =	sld [smem:$0x3FFE];
	[sflag:s23] =	ssyncadd.s32 $0xFFFFFFFF  }
0xa5: {  	s26 =	simm.s32 $execute0_lowered;
	[smem:$0x3FD2] =	sst s25  }
0xa6: {  	s4 =	sshll.u32 s26, $0x1;
	_ =	strace $0x8000004F;
	[dreg:$0x1] =	wrdreg $0xFFFFFFFF  }
0xa7: {  	s28 =	simm.s32 $_size_execute0_lowered;
	s2 =	sadd.s32 s2, s4;
	[dreg:$0x0] =	wrdreg $0x0  }
0xa8: {  	s4 =	sshll.u32 s28, $0x1;
	[dreg:$0x2] =	wrdreg s2  }
0xa9: {  	[dreg:$0x3] =	wrdreg s4  }
0xaa: {  	[dreg:$0x4] =	wrdreg $0xC0  }
0xab: {  	_ =	task [dreg:s6], $0x5FFFF  }
0xac: {  	[dreg:$0x1] =	wrdreg $0xFFFFFFFF  }
0xad: {  	[dreg:$0x0] =	wrdreg $0x60  }
0xae: {  	[dreg:$0x2] =	wrdreg s24  }
0xaf: {  	[dreg:$0x3] =	wrdreg $0x41000  }
0xb0: {  	[dreg:$0x4] =	wrdreg $0x9  }
0xb1: {  	_ =	task.clear_ibuf [dreg:s6], $0x5FFFF;
	_ =	strace $0x9000004F  }
0xb2: {  	s29 =	simm.s32 $0x9;
	_ =	strace $0x80000051  }
0xb3: {  	_ =	swait.ge [sflag:s29], $0x1  }
0xb4: {  	[sflag:s29] =	ssyncadd.s32 $0xFFFFFFFF  }
0xb5: {  	_ =	strace $0x90000051  }
0xb6: {  	_ =	sfence  }
0xb7: {  	s30 =	sld [smem:$0x0];
	_ =	sdelay $0x2  }
0xb8: {  	s31 =	sshll.u32 s1, $0xD;
	s1 =	sshrl.u32 s1, $0x2  }
0xb9: {  	s3 =	sand.u32 $0x4000, s31;
	s1 =	sadd.s32 s1, s30  }
0xba: {  	s0 =	sor.u32 s3, s0;
	s1 =	sshll.u32 s1, $0x11  }
0xbb: {  	s0 =	sor.u32 s1, s0  }
0xbc: {  	s0 =	sadd.s32 $0x8F2B, s0  }
0xbd: {  	[sflag:s0] =	ssyncadd.remote.s32 $0x1  }
0xbe: {  	_ =	sfence.sel $0xFFFF  }
0xbf: {  	[dreg:$0x0] =	wrdreg $0xFFFFFFFF;
	(pc) =	sbr.abs _section_cstart, $3  }
0xc0: {  	[dreg:$0x1] =	wrdreg $0xFFFFFFFF  }
0xc1: {  	_ =	task.clear_ibuf [dreg:s6], $0x2FFFF;
	_ =	strace $0x9FFFFFFF  }
0xc2: {  	(tm) =	ssettm $0x7FFFFFFF  }
0xc3: {  	_ =	shalt  }
tec
execute0_lowered:
.L_overlay_start_1:
0x0: {  	(tag) =	ssettag $0x1  }
0x1: {  	s6 =	rddreg [dreg:$0x0]  }
0x2: {  	s2 =	rddreg [dreg:$0x1]  }
0x3: {  	s0 =	rddreg [dreg:$0x2];
	s1 =	stileid.u32  }
0x4: {  	s4 =	srdreg.scid;
	s3 =	simm.s32 $0x0;
	s14 =	simm.s32 $0x100  }
0x5: {  	s15 =	simm.s32 $0x1;
	s16 =	simm.s32 $0x0;
	s5 =	smul.u32 $0xA20, s1  }
0x6: {  	s7 =	sand.u32 $0x1, s4;
	s8 =	smul.u32 $0x2780, s1;
	[smem:$0x7FF] =	sst s3  }
0x7: {  	s4 =	sadd.s32 $0x34A00, s6;
	s29 =	smul.u32 $0x4F000, s1;
	s31 =	sshll.u32 s1, $0x6  }
0x8: {  	s9 =	smul.u32 $0x27800, s7;
	_ =	strace $0x80000050;
	s30 =	ssub.s32 $0x2, s7  }
0x9: {  	s12 =	smul.u32 $0x510, s7;
	s10 =	sadd.s32 s5, s6;
	s5 =	sadd.s32 $0x5BC00, s6  }
0xa: {  	s11 =	sshrl.u32 s30, $0x1;
	s8 =	sadd.s32 s8, s9;
	s9 =	sshrl.u32 s29, $0x2  }
0xb: {  	s11 =	ssub.s32 s30, s11;
	s10 =	sadd.s32 s12, s10;
	s12 =	simm.s32 $0x2  }
0xc: {  	s8 =	sadd.s32 s8, s6;
	s13 =	sadd.s32 s9, s2;
	s6 =	sor.u32 $0x1C02, s31  }
0xd: {  	s9 =	sadd.s32 $0x3600, s10;
	s10 =	sadd.s32 $0x5F800, s10;
	s7 =	sadd.s32 $0x69A00, s8  }
0xe: {  	s8 =	smax.u32 s11, $0x1;
	s11 =	sshrl.u32 s13, $0x3;
	s13 =	simm.s32 $0x80  }
.LBB2_1:
0xf: {  	[spmem:s11], [sflag:s6] =	dma.local [hbm:s5], $0x2780  }
0x10: {  	_ =	swait.ge [sflag:s12], $0x2780  }
0x11: {  	[sflag:s12] =	ssyncset.done $0x0  }
0x12: {  	[sflag:s12] =	ssyncadd.s32 $0xFFFFD880  }
0x13: {  	s17 =	sadd.s32 $0x0, s10;
	[bflag:$0x0] =	sbarrier.arrive $0xFFFF  }
0x14: {  	[tilespmem:s3], [sflag:$0x2] =	stream.linear.gather [hbm4b:s17+s3], $0x80, $0x38;
	[tilespmem:$0x17D00] =	vst v63  }
0x15: {  	_ =	swait.ge [sflag:s12], $0x80  }
0x16: {  	[sflag:s12] =	ssyncset.done $0x0  }
0x17: {  	s31 =	sadd.s32 $0x0, s9;
	[sflag:s12] =	ssyncadd.s32 $0xFFFFFF80  }
0x18: {  	[tilespmem:s13], [sflag:$0x2] =	stream.linear.gather [hbm4b:s31+s3], $0x80, $0x38;
	[tilespmem:$0x17D00] =	vst v63  }
0x19: {  	_ =	swait.ge [sflag:s12], $0x80  }
0x1a: {  	[sflag:s12] =	ssyncset.done $0x0  }
0x1b: {  	[sflag:s12] =	ssyncadd.s32 $0xFFFFFF80  }
0x1c: {  	[tilespmem:s14], [sflag:$0x1] =	stream.indirect.gather [hbm4b:s4+s13], $0x80, s3, s13, $0xb8;
	[tilespmem:$0x17D00] =	vst v63  }
0x1d: {  	_ =	swait.ge [sflag:s15], $0x4000  }
0x1e: {  	[sflag:s15] =	ssyncset.done $0x0  }
0x1f: {  	[sflag:s15] =	ssyncadd.s32 $0xFFFFC000  }
0x20: {  	[spmem:s2] =	stream.indirect.scatter.add.f32 [tilespmem:s14], [sflag:$0x2], $0x80, s13, s13, $0xb8;
	[tilespmem:$0x17D00] =	vst v63  }
0x21: {  	_ =	swait.ge [sflag:s12], $0x4000  }
0x22: {  	s18 =	simm.s32 $0x20;
	s17 =	simm.s32 $0x10;
	[sflag:s12] =	ssyncset.done $0x0  }
.LBB2_2:
0x23: {  	s19 =	sadd.s32 s17, s10  }
0x24: {  	[sflag:s12] =	ssyncadd.s32 $0xFFFFC000;
	s20 =	smov.u32 s18;
	s21 =	sadd.s32 $0x10, s18  }
0x25: {  	[tilespmem:s3], [sflag:$0x2] =	stream.linear.gather [hbm4b:s19+s3], $0x80, $0x38;
	[tilespmem:$0x17D00] =	vst v63  }
0x26: {  	p0 =	sne.s32 s18, $0x500;
	_ =	swait.ge [sflag:s12], $0x80  }
0x27: {  	[sflag:s12] =	ssyncset.done $0x0  }
0x28: {  	s18 =	sadd.s32 s17, s9;
	s17 =	smov.u32 s20;
	[sflag:s12] =	ssyncadd.s32 $0xFFFFFF80  }
0x29: {  	[tilespmem:s13], [sflag:$0x2] =	stream.linear.gather [hbm4b:s18+s3], $0x80, $0x38;
	[tilespmem:$0x17D00] =	vst v63  }
0x2a: {  	_ =	swait.ge [sflag:s12], $0x80  }
0x2b: {  	[sflag:s12] =	ssyncset.done $0x0  }
0x2c: {  	[sflag:s12] =	ssyncadd.s32 $0xFFFFFF80  }
0x2d: {  	[tilespmem:s14], [sflag:$0x1] =	stream.indirect.gather [hbm4b:s4+s13], $0x80, s3, s13, $0xb8;
	[tilespmem:$0x17D00] =	vst v63  }
0x2e: {  	_ =	swait.ge [sflag:s15], $0x4000  }
.Ltmp0:
0x2f: {  	[sflag:s15] =	ssyncset.done $0x0;
	(pc) =	sbr.rel @p0 .LBB2_2-.Ltmp0, $4  }
0x30: {  	[sflag:s15] =	ssyncadd.s32 $0xFFFFC000  }
0x31: {  	[spmem:s2] =	stream.indirect.scatter.add.f32 [tilespmem:s14], [sflag:$0x2], $0x80, s13, s13, $0xb8;
	[tilespmem:$0x17D00] =	vst v63  }
0x32: {  	_ =	swait.ge [sflag:s12], $0x4000  }
0x33: {  	s18 =	smov.u32 s21;
	[sflag:s12] =	ssyncset.done $0x0  }
0x34: {  	s18 =	sadd.s32 s17, s10;
	[sflag:s12] =	ssyncadd.s32 $0xFFFFC000  }
0x35: {  	[tilespmem:s3], [sflag:$0x2] =	stream.linear.gather [hbm4b:s18+s3], $0x80, $0x38;
	[tilespmem:$0x17D00] =	vst v63  }
0x36: {  	_ =	swait.ge [sflag:s12], $0x80  }
0x37: {  	[sflag:s12] =	ssyncset.done $0x0  }
0x38: {  	s31 =	sadd.s32 s17, s9;
	[sflag:s12] =	ssyncadd.s32 $0xFFFFFF80  }
0x39: {  	[tilespmem:s13], [sflag:$0x2] =	stream.linear.gather [hbm4b:s31+s3], $0x80, $0x38;
	[tilespmem:$0x17D00] =	vst v63  }
0x3a: {  	_ =	swait.ge [sflag:s12], $0x80  }
0x3b: {  	[sflag:s12] =	ssyncset.done $0x0  }
0x3c: {  	[sflag:s12] =	ssyncadd.s32 $0xFFFFFF80  }
0x3d: {  	[tilespmem:s14], [sflag:$0x1] =	stream.indirect.gather [hbm4b:s4+s13], $0x80, s3, s13, $0xb8;
	[tilespmem:$0x17D00] =	vst v63  }
0x3e: {  	_ =	swait.ge [sflag:s15], $0x4000  }
0x3f: {  	[sflag:s15] =	ssyncset.done $0x0  }
0x40: {  	[sflag:s15] =	ssyncadd.s32 $0xFFFFC000  }
0x41: {  	[spmem:s2] =	stream.indirect.scatter.add.f32 [tilespmem:s14], [sflag:$0x2], $0x80, s13, s13, $0xb8;
	[tilespmem:$0x17D00] =	vst v63  }
0x42: {  	_ =	swait.ge [sflag:s12], $0x4000  }
0x43: {  	s16 =	sadd.s32 $0x1, s16;
	[sflag:s12] =	ssyncset.done $0x0  }
0x44: {  	p0 =	sne.s32 s16, s8;
	[sflag:s12] =	ssyncadd.s32 $0xFFFFC000  }
.Ltmp1:
0x45: {  	[bflag:$0x0] =	sbarrier.arrive $0xFFFF;
	(pc) =	sbr.rel @p0 .LBB2_1-.Ltmp1, $4  }
0x46: {  	[hbm:s7], [sflag:s6] =	dma.local [spmem:s11], $0x2780  }
0x47: {  	_ =	swait.ge [sflag:s12], $0x2780  }
0x48: {  	[sflag:s12] =	ssyncset.done $0x0  }
0x49: {  	[sflag:s12] =	ssyncadd.s32 $0xFFFFD880  }
0x4a: {  	_ =	sfence.sel $0x180000  }
0x4b: {  	[bflag:$0x0] =	sbarrier.arrive $0xFFFF  }
0x4c: {  	p0 =	sne.s32 s1, $0x0;
	_ =	strace $0x90000050  }
0x4d: {  	s0 =	sadd.s32 @!p0 $0x100000, s0;
	[bflag:$0x2] =	sbarrier.arrive $0xFFFF  }
0x4e: {  	[sflag:s0] =	ssyncadd.tile.s32 @!p0 $0x1;
	_ =	shalt  }
.Lfunc_end2:
_tile_overlayer_lowered:
.L_overlay_start_2:
0x4f: {  	(tag) =	ssettag $0x2  }
0x50: {  	s0 =	rddreg [dreg:$0x0];
	s2 =	stileid.u32  }
0x51: {  	s1 =	rddreg [dreg:$0x1];
	p0 =	sne.s32 s2, $0x0  }
0x52: {  	s3 =	rddreg [dreg:$0x2];
	[bflag:$0x3] =	sbarrier.arrive $0xFFFF;
	s2 =	simm.s32 @!p0 $0x1C02  }
0x53: {  	[timem:s3], [sflag:s2] =	dma.local @!p0 [hbm:s0], s1  }
0x54: {  	s0 =	simm.s32 @!p0 $0x2  }
0x55: {  	_ =	swait.ge @!p0 [sflag:s0], s1  }
0x56: {  	s1 =	ssub.s32 @!p0 $0x0, s1;
	[sflag:s0] =	ssyncset.done @!p0 $0x0  }
0x57: {  	[sflag:s0] =	ssyncadd.s32 @!p0 s1  }
0x58: {  	[bflag:$0x3] =	sbarrier.arrive $0xFFFF  }
0x59: {  	_ =	shalt  }

</sc_bundles>
